<compile_context>
chip_gen: v7x
topology: tpu7x:2x2x1
jax: 0.10.2.dev20260603
libtpu: 0.0.44.dev20260713+nightly
codegen_flags: <defaults>
</compile_context>

<pallas_src>
import functools

import jax
import jax.numpy as jnp
from jax import lax
from jax.experimental import pallas as pl
from jax.experimental.pallas import tpu as pltpu
from jax.experimental.pallas import tpu_sc as plsc

NC, NS, L = 2, 16, 16
NW = NC * NS
RS = 17


def _sc_gather(table, idx6, offs, chunk, H):
    n_words = table.shape[0]
    B = idx6.shape[0] // 6
    bpw = H // NW
    regions = [i * bpw for i in range(6)]

    mesh = plsc.VectorSubcoreMesh(core_axis_name="c", subcore_axis_name="s")

    @functools.partial(
        pl.kernel,
        mesh=mesh,
        out_type=jax.ShapeDtypeStruct((8 * L, H), jnp.float32),
        scratch_types=[
            pltpu.VMEM((n_words,), jnp.float32),
            pltpu.VMEM((6 * bpw,), jnp.int32),
            pltpu.VMEM((8 * L, bpw), jnp.float32),
        ],
        compiler_params=pltpu.CompilerParams(needs_layout_passes=False),
    )
    def body(table_hbm, idx6_hbm, out_hbm, table_v, idx_v, rows_v):
        wid = lax.axis_index("s") * NC + lax.axis_index("c")
        base = chunk * H + wid * bpw
        pltpu.sync_copy(table_hbm, table_v)
        for q, reg in enumerate(regions):
            pltpu.sync_copy(idx6_hbm.at[pl.ds(q * B + base, bpw)],
                            idx_v.at[pl.ds(reg, bpw)])

        @plsc.parallel_loop(0, bpw // L, unroll=1)
        def _j(j):
            sp = idx_v[pl.ds(regions[0] + j * L, L)] + offs[0]
            p01 = idx_v[pl.ds(regions[1] + j * L, L)]
            p23 = idx_v[pl.ds(regions[2] + j * L, L)]
            ab = idx_v[pl.ds(regions[3] + j * L, L)] + offs[2]
            st = idx_v[pl.ds(regions[4] + j * L, L)] + offs[3]
            it = idx_v[pl.ds(regions[5] + j * L, L)] + offs[4]
            gb = [r * RS for r in (
                sp,
                (p01 & 0xFFFF) + offs[1], lax.shift_right_logical(p01, 16) + offs[1],
                (p23 & 0xFFFF) + offs[1], lax.shift_right_logical(p23, 16) + offs[1],
                ab, st, it)]

            @plsc.parallel_loop(0, L, unroll=4)
            def _c(c):
                for slot in range(8):
                    vals = plsc.load_gather(table_v, [gb[slot] + c])
                    rows_v[slot * L + c, pl.ds(j * L, L)] = vals

        pltpu.sync_copy(rows_v, out_hbm.at[:, pl.ds(wid * bpw, bpw)])

    return body(table, idx6)


def _mlp_body(gt_ref, nt_ref, w1a_ref, w1b_ref, b1_ref, w2_ref, b2_ref, o_ref):
    h = lax.dot_general(
        gt_ref[...], w1a_ref[...], (((0,), (0,)), ((), ())),
        preferred_element_type=jnp.float32)
    h = h + lax.dot_general(
        nt_ref[...], w1b_ref[...], (((0,), (0,)), ((), ())),
        preferred_element_type=jnp.float32)
    h = jnp.maximum(h + b1_ref[...], 0.0)
    o_ref[...] = jnp.dot(h, w2_ref[...], preferred_element_type=jnp.float32) + b2_ref[...]


def kernel(species, moves, ability, status1, holdItem, hp, lvl, att, defn, spe,
           spA, spD, pp, exp, species_emb, move_emb, ability_emb, status_emb,
           item_emb, W1, b1, W2, b2):
    B = species.shape[0]
    f32, i32 = jnp.float32, jnp.int32

    o_m = species_emb.shape[0]
    o_a = o_m + move_emb.shape[0]
    o_st = o_a + ability_emb.shape[0]
    o_it = o_st + status_emb.shape[0]
    table = jnp.concatenate(
        [species_emb, move_emb, ability_emb, status_emb, item_emb], axis=0)
    table = jnp.pad(table, ((0, (-table.shape[0]) % 8), (0, RS - L)))

    mv = moves.astype(i32)
    mv01 = mv[:, 0] | (mv[:, 1] << 16)
    mv23 = mv[:, 2] | (mv[:, 3] << 16)

    idx6 = jnp.concatenate([
        species.astype(i32), mv01, mv23,
        ability.astype(i32), status1.astype(i32), holdItem.astype(i32)])
    gt = _sc_gather(table.reshape(-1), idx6, (0, o_m, o_a, o_st, o_it), 0, B)

    nt = jnp.concatenate([
        hp[None].astype(f32), lvl[None].astype(f32),
        att[None].astype(f32), defn[None].astype(f32),
        spe[None].astype(f32), spA[None].astype(f32), spD[None].astype(f32),
        jnp.mean(pp.astype(f32), axis=-1)[None], exp[None].astype(f32),
        jnp.zeros((7, B), f32),
    ], axis=0)
    w1a = W1[:128]
    w1b = jnp.concatenate([
        W1[128:129], W1[129:130] / 100.0, W1[130:137],
        jnp.zeros((7, 128), f32),
    ], axis=0)

    BLK = 8192
    out = pl.pallas_call(
        _mlp_body,
        grid=(B // BLK,),
        in_specs=[
            pl.BlockSpec((128, BLK), lambda i: (0, i)),
            pl.BlockSpec((16, BLK), lambda i: (0, i)),
            pl.BlockSpec((128, 128), lambda i: (0, 0)),
            pl.BlockSpec((16, 128), lambda i: (0, 0)),
            pl.BlockSpec((1, 128), lambda i: (0, 0)),
            pl.BlockSpec((128, 128), lambda i: (0, 0)),
            pl.BlockSpec((1, 128), lambda i: (0, 0)),
        ],
        out_specs=pl.BlockSpec((BLK, 128), lambda i: (i, 0)),
        out_shape=jax.ShapeDtypeStruct((B, 128), f32),
    )(gt, nt, w1a, w1b, b1.reshape(1, 128), W2, b2.reshape(1, 128))
    return out

# --- scband reference (transcript-rebuilt; emitter-appended) ---
"""Pipeline reference for scband-player-pokemon-encoder-22282290332263 (READ-ONLY COPY).

The authoritative reference and input builder live on the scoring server;
editing this copy changes nothing except your own understanding.
"""

import jax, jax.numpy as jnp
import numpy as np

MAX_SPECIES = 412
MAX_MOVES = 355
MAX_ABILITIES = 78
MAX_ITEMS = 377
MAX_STAT1 = 6
EMB = 16
B = 16384


def setup_inputs(seed: int = 0) -> dict:
    key = jax.random.key(seed)
    ks = jax.random.split(key, 24)
    inp = {}
    inp["species"] = jax.random.randint(ks[0], (B,), 0, MAX_SPECIES, dtype=jnp.int64 if jax.config.jax_enable_x64 else jnp.int32)
    inp["moves"] = jax.random.randint(ks[1], (B, 4), 0, MAX_MOVES)
    inp["ability"] = jax.random.randint(ks[2], (B,), 0, MAX_ABILITIES)
    inp["status1"] = jax.random.randint(ks[3], (B,), 0, MAX_STAT1)
    inp["holdItem"] = jax.random.randint(ks[4], (B,), 0, MAX_ITEMS)
    inp["hp"] = jax.random.uniform(ks[5], (B,), dtype=jnp.float32)
    inp["lvl"] = jax.random.uniform(ks[6], (B,), dtype=jnp.float32)
    inp["att"] = jax.random.randint(ks[7], (B,), 0, 255, dtype=jnp.int32)
    inp["defn"] = jax.random.randint(ks[8], (B,), 0, 255, dtype=jnp.int32)
    inp["spe"] = jax.random.randint(ks[9], (B,), 0, 255, dtype=jnp.int32)
    inp["spA"] = jax.random.randint(ks[10], (B,), 0, 255, dtype=jnp.int32)
    inp["spD"] = jax.random.randint(ks[11], (B,), 0, 255, dtype=jnp.int32)
    inp["pp"] = jax.random.randint(ks[12], (B, 4), 0, 64, dtype=jnp.int32)
    inp["exp"] = jax.random.randint(ks[13], (B,), 0, 10000, dtype=jnp.int32)
    # learned parameters
    inp["species_emb"] = jax.random.normal(ks[14], (MAX_SPECIES, EMB), dtype=jnp.float32)
    inp["move_emb"] = jax.random.normal(ks[15], (MAX_MOVES, EMB), dtype=jnp.float32)
    inp["ability_emb"] = jax.random.normal(ks[16], (MAX_ABILITIES, EMB), dtype=jnp.float32)
    inp["status_emb"] = jax.random.normal(ks[17], (MAX_STAT1, EMB), dtype=jnp.float32)
    inp["item_emb"] = jax.random.normal(ks[18], (MAX_ITEMS, EMB), dtype=jnp.float32)
    inp["W1"] = jax.random.normal(ks[19], (137, 128), dtype=jnp.float32) * 0.05
    inp["b1"] = jnp.zeros((128,), dtype=jnp.float32)
    inp["W2"] = jax.random.normal(ks[20], (128, 128), dtype=jnp.float32) * 0.05
    inp["b2"] = jnp.zeros((128,), dtype=jnp.float32)
    return inp


def reference(species, moves, ability, status1, holdItem, hp, lvl, att, defn, spe, spA, spD, pp, exp,
              species_emb, move_emb, ability_emb, status_emb, item_emb, W1, b1, W2, b2):
    s = jnp.take(species_emb, species, axis=0)            # [B, 16]
    m = jnp.take(move_emb, moves, axis=0)                 # [B, 4, 16]
    a = jnp.take(ability_emb, ability, axis=0)            # [B, 16]
    st = jnp.take(status_emb, status1, axis=0)            # [B, 16]
    it = jnp.take(item_emb, holdItem, axis=0)             # [B, 16]
    m = m.reshape(m.shape[:-2] + (m.shape[-2] * m.shape[-1],))  # flatten last two dims -> [B, 64]
    num_stats = jnp.concatenate([
        hp[..., None],
        lvl[..., None] / 100.0,
        att.astype(jnp.float32)[..., None],
        defn.astype(jnp.float32)[..., None],
        spe.astype(jnp.float32)[..., None],
        spA.astype(jnp.float32)[..., None],
        spD.astype(jnp.float32)[..., None],
        jnp.mean(pp.astype(jnp.float32), axis=-1, keepdims=True),
        exp.astype(jnp.float32)[..., None],
    ], axis=-1)                                            # [B, 9]
    x = jnp.concatenate([s, m, a, st, it, num_stats], axis=-1)  # [B, 137]
    h = jax.nn.relu(x @ W1 + b1)
    out = h @ W2 + b2
    return out

if __name__ == "__main__":
    import jax
    _d = setup_inputs()
    print(jax.jit(kernel)(*tuple(_d.values())))

</pallas_src>

<mosaic_0001>
#map = affine_map<(d0, d1) -> (0)>
#map1 = affine_map<(d0, d1) -> (0, 0)>
module attributes {stable_mosaic.version = 14 : i64} {
  func.func @body(%arg0: i32, %arg1: i32, %arg2: memref<20944xf32, #tpu.memory_space<hbm>>, %arg3: memref<98304xi32, #tpu.memory_space<hbm>>, %arg4: memref<128x16384xf32, #tpu.memory_space<hbm>>, %arg5: memref<20944xf32, #tpu.memory_space<vmem>>, %arg6: memref<3072xi32, #tpu.memory_space<vmem>>, %arg7: memref<128x512xf32, #tpu.memory_space<vmem>>) attributes {dimension_semantics = [#tpu.dimension_semantics<core_parallel>, #tpu.dimension_semantics<subcore_parallel>], iteration_bounds = array<i64: 2, 16>, scalar_prefetch = 0 : i64, scratch_operands = 3 : i64, tpu.core_type = #tpu.core_type<sc_vector_subcore>, window_params = [{transform_indices = #map}, {transform_indices = #map}, {transform_indices = #map1}]} {
    %mul3A = arith.constant 2 : i32
    %mul3A_0 = arith.muli %arg1, %mul3A : i32
    %add3A = arith.addi %mul3A_0, %arg0 : i32
    %mul3A_1 = arith.constant 512 : i32
    %mul3A_2 = arith.muli %add3A, %mul3A_1 : i32
    %add3A_3 = arith.constant 0 : i32
    %add3A_4 = arith.addi %add3A_3, %mul3A_2 : i32
    "tpu.region"() ({
      %run_scoped3A = tpu.sem_alloc : memref<!tpu.dma_semaphore, #tpu.memory_space<semaphore_mem>>
      tpu.enqueue_dma source(%arg2 : memref<20944xf32, #tpu.memory_space<hbm>>) target(%arg5 : memref<20944xf32, #tpu.memory_space<vmem>>) target_semaphore(%run_scoped3A : memref<!tpu.dma_semaphore, #tpu.memory_space<semaphore_mem>>)
      tpu.wait_dma2 semaphore(%run_scoped3A : memref<!tpu.dma_semaphore, #tpu.memory_space<semaphore_mem>>) src(%arg2 : memref<20944xf32, #tpu.memory_space<hbm>>) dst(%arg5 : memref<20944xf32, #tpu.memory_space<vmem>>)
      tpu.yield
    }) : () -> ()
    %add3A_5 = arith.constant 0 : i32
    %add3A_6 = arith.addi %add3A_5, %add3A_4 : i32
    "tpu.region"() ({
      %run_scoped3A = tpu.sem_alloc : memref<!tpu.dma_semaphore, #tpu.memory_space<semaphore_mem>>
      %dma_start3A = arith.constant 0 : i32
      %dma_start3A_21 = tpu.memref_slice %arg6[%dma_start3A] : memref<3072xi32, #tpu.memory_space<vmem>> -> memref<512xi32, #tpu.memory_space<vmem>>
      %dma_start3A_22 = tpu.memref_slice %arg3[%add3A_6] : memref<98304xi32, #tpu.memory_space<hbm>> -> memref<512xi32, #tpu.memory_space<hbm>>
      %dma_start3A_23 = arith.constant 0 : i32
      %dma_start3A_24 = tpu.memref_slice %arg6[%dma_start3A_23] : memref<3072xi32, #tpu.memory_space<vmem>> -> memref<512xi32, #tpu.memory_space<vmem>>
      %dma_start3A_25 = tpu.memref_slice %arg3[%add3A_6] : memref<98304xi32, #tpu.memory_space<hbm>> -> memref<512xi32, #tpu.memory_space<hbm>>
      tpu.enqueue_dma source(%dma_start3A_25 : memref<512xi32, #tpu.memory_space<hbm>>) target(%dma_start3A_24 : memref<512xi32, #tpu.memory_space<vmem>>) target_semaphore(%run_scoped3A : memref<!tpu.dma_semaphore, #tpu.memory_space<semaphore_mem>>)
      %dma_wait3A = arith.constant 0 : i32
      %dma_wait3A_26 = tpu.memref_slice %arg6[%dma_wait3A] : memref<3072xi32, #tpu.memory_space<vmem>> -> memref<512xi32, #tpu.memory_space<vmem>>
      %dma_wait3A_27 = tpu.memref_slice %arg3[%add3A_6] : memref<98304xi32, #tpu.memory_space<hbm>> -> memref<512xi32, #tpu.memory_space<hbm>>
      %dma_wait3A_28 = arith.constant 0 : i32
      %dma_wait3A_29 = tpu.memref_slice %arg6[%dma_wait3A_28] : memref<3072xi32, #tpu.memory_space<vmem>> -> memref<512xi32, #tpu.memory_space<vmem>>
      %dma_wait3A_30 = tpu.memref_slice %arg3[%add3A_6] : memref<98304xi32, #tpu.memory_space<hbm>> -> memref<512xi32, #tpu.memory_space<hbm>>
      tpu.wait_dma2 semaphore(%run_scoped3A : memref<!tpu.dma_semaphore, #tpu.memory_space<semaphore_mem>>) src(%dma_wait3A_30 : memref<512xi32, #tpu.memory_space<hbm>>) dst(%dma_wait3A_29 : memref<512xi32, #tpu.memory_space<vmem>>)
      tpu.yield
    }) : () -> ()
    %add3A_7 = arith.constant 16384 : i32
    %add3A_8 = arith.addi %add3A_7, %add3A_4 : i32
    "tpu.region"() ({
      %run_scoped3A = tpu.sem_alloc : memref<!tpu.dma_semaphore, #tpu.memory_space<semaphore_mem>>
      %dma_start3A = arith.constant 512 : i32
      %dma_start3A_21 = tpu.memref_slice %arg6[%dma_start3A] : memref<3072xi32, #tpu.memory_space<vmem>> -> memref<512xi32, #tpu.memory_space<vmem>>
      %dma_start3A_22 = tpu.memref_slice %arg3[%add3A_8] : memref<98304xi32, #tpu.memory_space<hbm>> -> memref<512xi32, #tpu.memory_space<hbm>>
      %dma_start3A_23 = arith.constant 512 : i32
      %dma_start3A_24 = tpu.memref_slice %arg6[%dma_start3A_23] : memref<3072xi32, #tpu.memory_space<vmem>> -> memref<512xi32, #tpu.memory_space<vmem>>
      %dma_start3A_25 = tpu.memref_slice %arg3[%add3A_8] : memref<98304xi32, #tpu.memory_space<hbm>> -> memref<512xi32, #tpu.memory_space<hbm>>
      tpu.enqueue_dma source(%dma_start3A_25 : memref<512xi32, #tpu.memory_space<hbm>>) target(%dma_start3A_24 : memref<512xi32, #tpu.memory_space<vmem>>) target_semaphore(%run_scoped3A : memref<!tpu.dma_semaphore, #tpu.memory_space<semaphore_mem>>)
      %dma_wait3A = arith.constant 512 : i32
      %dma_wait3A_26 = tpu.memref_slice %arg6[%dma_wait3A] : memref<3072xi32, #tpu.memory_space<vmem>> -> memref<512xi32, #tpu.memory_space<vmem>>
      %dma_wait3A_27 = tpu.memref_slice %arg3[%add3A_8] : memref<98304xi32, #tpu.memory_space<hbm>> -> memref<512xi32, #tpu.memory_space<hbm>>
      %dma_wait3A_28 = arith.constant 512 : i32
      %dma_wait3A_29 = tpu.memref_slice %arg6[%dma_wait3A_28] : memref<3072xi32, #tpu.memory_space<vmem>> -> memref<512xi32, #tpu.memory_space<vmem>>
      %dma_wait3A_30 = tpu.memref_slice %arg3[%add3A_8] : memref<98304xi32, #tpu.memory_space<hbm>> -> memref<512xi32, #tpu.memory_space<hbm>>
      tpu.wait_dma2 semaphore(%run_scoped3A : memref<!tpu.dma_semaphore, #tpu.memory_space<semaphore_mem>>) src(%dma_wait3A_30 : memref<512xi32, #tpu.memory_space<hbm>>) dst(%dma_wait3A_29 : memref<512xi32, #tpu.memory_space<vmem>>)
      tpu.yield
    }) : () -> ()
    %add3A_9 = arith.constant 32768 : i32
    %add3A_10 = arith.addi %add3A_9, %add3A_4 : i32
    "tpu.region"() ({
      %run_scoped3A = tpu.sem_alloc : memref<!tpu.dma_semaphore, #tpu.memory_space<semaphore_mem>>
      %dma_start3A = arith.constant 1024 : i32
      %dma_start3A_21 = tpu.memref_slice %arg6[%dma_start3A] : memref<3072xi32, #tpu.memory_space<vmem>> -> memref<512xi32, #tpu.memory_space<vmem>>
      %dma_start3A_22 = tpu.memref_slice %arg3[%add3A_10] : memref<98304xi32, #tpu.memory_space<hbm>> -> memref<512xi32, #tpu.memory_space<hbm>>
      %dma_start3A_23 = arith.constant 1024 : i32
      %dma_start3A_24 = tpu.memref_slice %arg6[%dma_start3A_23] : memref<3072xi32, #tpu.memory_space<vmem>> -> memref<512xi32, #tpu.memory_space<vmem>>
      %dma_start3A_25 = tpu.memref_slice %arg3[%add3A_10] : memref<98304xi32, #tpu.memory_space<hbm>> -> memref<512xi32, #tpu.memory_space<hbm>>
      tpu.enqueue_dma source(%dma_start3A_25 : memref<512xi32, #tpu.memory_space<hbm>>) target(%dma_start3A_24 : memref<512xi32, #tpu.memory_space<vmem>>) target_semaphore(%run_scoped3A : memref<!tpu.dma_semaphore, #tpu.memory_space<semaphore_mem>>)
      %dma_wait3A = arith.constant 1024 : i32
      %dma_wait3A_26 = tpu.memref_slice %arg6[%dma_wait3A] : memref<3072xi32, #tpu.memory_space<vmem>> -> memref<512xi32, #tpu.memory_space<vmem>>
      %dma_wait3A_27 = tpu.memref_slice %arg3[%add3A_10] : memref<98304xi32, #tpu.memory_space<hbm>> -> memref<512xi32, #tpu.memory_space<hbm>>
      %dma_wait3A_28 = arith.constant 1024 : i32
      %dma_wait3A_29 = tpu.memref_slice %arg6[%dma_wait3A_28] : memref<3072xi32, #tpu.memory_space<vmem>> -> memref<512xi32, #tpu.memory_space<vmem>>
      %dma_wait3A_30 = tpu.memref_slice %arg3[%add3A_10] : memref<98304xi32, #tpu.memory_space<hbm>> -> memref<512xi32, #tpu.memory_space<hbm>>
      tpu.wait_dma2 semaphore(%run_scoped3A : memref<!tpu.dma_semaphore, #tpu.memory_space<semaphore_mem>>) src(%dma_wait3A_30 : memref<512xi32, #tpu.memory_space<hbm>>) dst(%dma_wait3A_29 : memref<512xi32, #tpu.memory_space<vmem>>)
      tpu.yield
    }) : () -> ()
    %add3A_11 = arith.constant 49152 : i32
    %add3A_12 = arith.addi %add3A_11, %add3A_4 : i32
    "tpu.region"() ({
      %run_scoped3A = tpu.sem_alloc : memref<!tpu.dma_semaphore, #tpu.memory_space<semaphore_mem>>
      %dma_start3A = arith.constant 1536 : i32
      %dma_start3A_21 = tpu.memref_slice %arg6[%dma_start3A] : memref<3072xi32, #tpu.memory_space<vmem>> -> memref<512xi32, #tpu.memory_space<vmem>>
      %dma_start3A_22 = tpu.memref_slice %arg3[%add3A_12] : memref<98304xi32, #tpu.memory_space<hbm>> -> memref<512xi32, #tpu.memory_space<hbm>>
      %dma_start3A_23 = arith.constant 1536 : i32
      %dma_start3A_24 = tpu.memref_slice %arg6[%dma_start3A_23] : memref<3072xi32, #tpu.memory_space<vmem>> -> memref<512xi32, #tpu.memory_space<vmem>>
      %dma_start3A_25 = tpu.memref_slice %arg3[%add3A_12] : memref<98304xi32, #tpu.memory_space<hbm>> -> memref<512xi32, #tpu.memory_space<hbm>>
      tpu.enqueue_dma source(%dma_start3A_25 : memref<512xi32, #tpu.memory_space<hbm>>) target(%dma_start3A_24 : memref<512xi32, #tpu.memory_space<vmem>>) target_semaphore(%run_scoped3A : memref<!tpu.dma_semaphore, #tpu.memory_space<semaphore_mem>>)
      %dma_wait3A = arith.constant 1536 : i32
      %dma_wait3A_26 = tpu.memref_slice %arg6[%dma_wait3A] : memref<3072xi32, #tpu.memory_space<vmem>> -> memref<512xi32, #tpu.memory_space<vmem>>
      %dma_wait3A_27 = tpu.memref_slice %arg3[%add3A_12] : memref<98304xi32, #tpu.memory_space<hbm>> -> memref<512xi32, #tpu.memory_space<hbm>>
      %dma_wait3A_28 = arith.constant 1536 : i32
      %dma_wait3A_29 = tpu.memref_slice %arg6[%dma_wait3A_28] : memref<3072xi32, #tpu.memory_space<vmem>> -> memref<512xi32, #tpu.memory_space<vmem>>
      %dma_wait3A_30 = tpu.memref_slice %arg3[%add3A_12] : memref<98304xi32, #tpu.memory_space<hbm>> -> memref<512xi32, #tpu.memory_space<hbm>>
      tpu.wait_dma2 semaphore(%run_scoped3A : memref<!tpu.dma_semaphore, #tpu.memory_space<semaphore_mem>>) src(%dma_wait3A_30 : memref<512xi32, #tpu.memory_space<hbm>>) dst(%dma_wait3A_29 : memref<512xi32, #tpu.memory_space<vmem>>)
      tpu.yield
    }) : () -> ()
    %add3A_13 = arith.constant 65536 : i32
    %add3A_14 = arith.addi %add3A_13, %add3A_4 : i32
    "tpu.region"() ({
      %run_scoped3A = tpu.sem_alloc : memref<!tpu.dma_semaphore, #tpu.memory_space<semaphore_mem>>
      %dma_start3A = arith.constant 2048 : i32
      %dma_start3A_21 = tpu.memref_slice %arg6[%dma_start3A] : memref<3072xi32, #tpu.memory_space<vmem>> -> memref<512xi32, #tpu.memory_space<vmem>>
      %dma_start3A_22 = tpu.memref_slice %arg3[%add3A_14] : memref<98304xi32, #tpu.memory_space<hbm>> -> memref<512xi32, #tpu.memory_space<hbm>>
      %dma_start3A_23 = arith.constant 2048 : i32
      %dma_start3A_24 = tpu.memref_slice %arg6[%dma_start3A_23] : memref<3072xi32, #tpu.memory_space<vmem>> -> memref<512xi32, #tpu.memory_space<vmem>>
      %dma_start3A_25 = tpu.memref_slice %arg3[%add3A_14] : memref<98304xi32, #tpu.memory_space<hbm>> -> memref<512xi32, #tpu.memory_space<hbm>>
      tpu.enqueue_dma source(%dma_start3A_25 : memref<512xi32, #tpu.memory_space<hbm>>) target(%dma_start3A_24 : memref<512xi32, #tpu.memory_space<vmem>>) target_semaphore(%run_scoped3A : memref<!tpu.dma_semaphore, #tpu.memory_space<semaphore_mem>>)
      %dma_wait3A = arith.constant 2048 : i32
      %dma_wait3A_26 = tpu.memref_slice %arg6[%dma_wait3A] : memref<3072xi32, #tpu.memory_space<vmem>> -> memref<512xi32, #tpu.memory_space<vmem>>
      %dma_wait3A_27 = tpu.memref_slice %arg3[%add3A_14] : memref<98304xi32, #tpu.memory_space<hbm>> -> memref<512xi32, #tpu.memory_space<hbm>>
      %dma_wait3A_28 = arith.constant 2048 : i32
      %dma_wait3A_29 = tpu.memref_slice %arg6[%dma_wait3A_28] : memref<3072xi32, #tpu.memory_space<vmem>> -> memref<512xi32, #tpu.memory_space<vmem>>
      %dma_wait3A_30 = tpu.memref_slice %arg3[%add3A_14] : memref<98304xi32, #tpu.memory_space<hbm>> -> memref<512xi32, #tpu.memory_space<hbm>>
      tpu.wait_dma2 semaphore(%run_scoped3A : memref<!tpu.dma_semaphore, #tpu.memory_space<semaphore_mem>>) src(%dma_wait3A_30 : memref<512xi32, #tpu.memory_space<hbm>>) dst(%dma_wait3A_29 : memref<512xi32, #tpu.memory_space<vmem>>)
      tpu.yield
    }) : () -> ()
    %add3A_15 = arith.constant 81920 : i32
    %add3A_16 = arith.addi %add3A_15, %add3A_4 : i32
    "tpu.region"() ({
      %run_scoped3A = tpu.sem_alloc : memref<!tpu.dma_semaphore, #tpu.memory_space<semaphore_mem>>
      %dma_start3A = arith.constant 2560 : i32
      %dma_start3A_21 = tpu.memref_slice %arg6[%dma_start3A] : memref<3072xi32, #tpu.memory_space<vmem>> -> memref<512xi32, #tpu.memory_space<vmem>>
      %dma_start3A_22 = tpu.memref_slice %arg3[%add3A_16] : memref<98304xi32, #tpu.memory_space<hbm>> -> memref<512xi32, #tpu.memory_space<hbm>>
      %dma_start3A_23 = arith.constant 2560 : i32
      %dma_start3A_24 = tpu.memref_slice %arg6[%dma_start3A_23] : memref<3072xi32, #tpu.memory_space<vmem>> -> memref<512xi32, #tpu.memory_space<vmem>>
      %dma_start3A_25 = tpu.memref_slice %arg3[%add3A_16] : memref<98304xi32, #tpu.memory_space<hbm>> -> memref<512xi32, #tpu.memory_space<hbm>>
      tpu.enqueue_dma source(%dma_start3A_25 : memref<512xi32, #tpu.memory_space<hbm>>) target(%dma_start3A_24 : memref<512xi32, #tpu.memory_space<vmem>>) target_semaphore(%run_scoped3A : memref<!tpu.dma_semaphore, #tpu.memory_space<semaphore_mem>>)
      %dma_wait3A = arith.constant 2560 : i32
      %dma_wait3A_26 = tpu.memref_slice %arg6[%dma_wait3A] : memref<3072xi32, #tpu.memory_space<vmem>> -> memref<512xi32, #tpu.memory_space<vmem>>
      %dma_wait3A_27 = tpu.memref_slice %arg3[%add3A_16] : memref<98304xi32, #tpu.memory_space<hbm>> -> memref<512xi32, #tpu.memory_space<hbm>>
      %dma_wait3A_28 = arith.constant 2560 : i32
      %dma_wait3A_29 = tpu.memref_slice %arg6[%dma_wait3A_28] : memref<3072xi32, #tpu.memory_space<vmem>> -> memref<512xi32, #tpu.memory_space<vmem>>
      %dma_wait3A_30 = tpu.memref_slice %arg3[%add3A_16] : memref<98304xi32, #tpu.memory_space<hbm>> -> memref<512xi32, #tpu.memory_space<hbm>>
      tpu.wait_dma2 semaphore(%run_scoped3A : memref<!tpu.dma_semaphore, #tpu.memory_space<semaphore_mem>>) src(%dma_wait3A_30 : memref<512xi32, #tpu.memory_space<hbm>>) dst(%dma_wait3A_29 : memref<512xi32, #tpu.memory_space<vmem>>)
      tpu.yield
    }) : () -> ()
    %parallel_loop3A = arith.constant 0 : i32
    %parallel_loop3A_17 = arith.constant 32 : i32
    %parallel_loop3A_18 = arith.constant 1 : i32
    scf.for %parallel_loop3A_21 = %parallel_loop3A to %parallel_loop3A_17 step %parallel_loop3A_18  : i32 {
      %parallel_loop3A_22 = arith.constant 16 : i32
      %parallel_loop3A_23 = arith.muli %parallel_loop3A_21, %parallel_loop3A_22 : i32
      %parallel_loop3A_24 = arith.constant 0 : i32
      %parallel_loop3A_25 = arith.addi %parallel_loop3A_24, %parallel_loop3A_23 : i32
      %parallel_loop3A_26 = arith.index_cast %parallel_loop3A_25 : i32 to index
      %parallel_loop3A_27 = tpu.vector_load %arg6[%parallel_loop3A_26] {strides = array<i32>} : memref<3072xi32, #tpu.memory_space<vmem>>, vector<16xi32>,
      %parallel_loop3A_28 = arith.constant 0 : i32
      %parallel_loop3A_29 = vector.broadcast %parallel_loop3A_28 : i32 to vector<16xi32>
      %parallel_loop3A_30 = arith.addi %parallel_loop3A_27, %parallel_loop3A_29 : vector<16xi32>
      %parallel_loop3A_31 = arith.constant 16 : i32
      %parallel_loop3A_32 = arith.muli %parallel_loop3A_21, %parallel_loop3A_31 : i32
      %parallel_loop3A_33 = arith.constant 512 : i32
      %parallel_loop3A_34 = arith.addi %parallel_loop3A_33, %parallel_loop3A_32 : i32
      %parallel_loop3A_35 = arith.index_cast %parallel_loop3A_34 : i32 to index
      %parallel_loop3A_36 = tpu.vector_load %arg6[%parallel_loop3A_35] {strides = array<i32>} : memref<3072xi32, #tpu.memory_space<vmem>>, vector<16xi32>,
      %parallel_loop3A_37 = arith.constant 16 : i32
      %parallel_loop3A_38 = arith.muli %parallel_loop3A_21, %parallel_loop3A_37 : i32
      %parallel_loop3A_39 = arith.constant 1024 : i32
      %parallel_loop3A_40 = arith.addi %parallel_loop3A_39, %parallel_loop3A_38 : i32
      %parallel_loop3A_41 = arith.index_cast %parallel_loop3A_40 : i32 to index
      %parallel_loop3A_42 = tpu.vector_load %arg6[%parallel_loop3A_41] {strides = array<i32>} : memref<3072xi32, #tpu.memory_space<vmem>>, vector<16xi32>,
      %parallel_loop3A_43 = arith.constant 16 : i32
      %parallel_loop3A_44 = arith.muli %parallel_loop3A_21, %parallel_loop3A_43 : i32
      %parallel_loop3A_45 = arith.constant 1536 : i32
      %parallel_loop3A_46 = arith.addi %parallel_loop3A_45, %parallel_loop3A_44 : i32
      %parallel_loop3A_47 = arith.index_cast %parallel_loop3A_46 : i32 to index
      %parallel_loop3A_48 = tpu.vector_load %arg6[%parallel_loop3A_47] {strides = array<i32>} : memref<3072xi32, #tpu.memory_space<vmem>>, vector<16xi32>,
      %parallel_loop3A_49 = arith.constant 767 : i32
      %parallel_loop3A_50 = vector.broadcast %parallel_loop3A_49 : i32 to vector<16xi32>
      %parallel_loop3A_51 = arith.addi %parallel_loop3A_48, %parallel_loop3A_50 : vector<16xi32>
      %parallel_loop3A_52 = arith.constant 16 : i32
      %parallel_loop3A_53 = arith.muli %parallel_loop3A_21, %parallel_loop3A_52 : i32
      %parallel_loop3A_54 = arith.constant 2048 : i32
      %parallel_loop3A_55 = arith.addi %parallel_loop3A_54, %parallel_loop3A_53 : i32
      %parallel_loop3A_56 = arith.index_cast %parallel_loop3A_55 : i32 to index
      %parallel_loop3A_57 = tpu.vector_load %arg6[%parallel_loop3A_56] {strides = array<i32>} : memref<3072xi32, #tpu.memory_space<vmem>>, vector<16xi32>,
      %parallel_loop3A_58 = arith.constant 845 : i32
      %parallel_loop3A_59 = vector.broadcast %parallel_loop3A_58 : i32 to vector<16xi32>
      %parallel_loop3A_60 = arith.addi %parallel_loop3A_57, %parallel_loop3A_59 : vector<16xi32>
      %parallel_loop3A_61 = arith.constant 16 : i32
      %parallel_loop3A_62 = arith.muli %parallel_loop3A_21, %parallel_loop3A_61 : i32
      %parallel_loop3A_63 = arith.constant 2560 : i32
      %parallel_loop3A_64 = arith.addi %parallel_loop3A_63, %parallel_loop3A_62 : i32
      %parallel_loop3A_65 = arith.index_cast %parallel_loop3A_64 : i32 to index
      %parallel_loop3A_66 = tpu.vector_load %arg6[%parallel_loop3A_65] {strides = array<i32>} : memref<3072xi32, #tpu.memory_space<vmem>>, vector<16xi32>,
      %parallel_loop3A_67 = arith.constant 851 : i32
      %parallel_loop3A_68 = vector.broadcast %parallel_loop3A_67 : i32 to vector<16xi32>
      %parallel_loop3A_69 = arith.addi %parallel_loop3A_66, %parallel_loop3A_68 : vector<16xi32>
      %parallel_loop3A_70 = arith.constant 65535 : i32
      %parallel_loop3A_71 = vector.broadcast %parallel_loop3A_70 : i32 to vector<16xi32>
      %parallel_loop3A_72 = arith.andi %parallel_loop3A_36, %parallel_loop3A_71 : vector<16xi32>
      %parallel_loop3A_73 = arith.constant 412 : i32
      %parallel_loop3A_74 = vector.broadcast %parallel_loop3A_73 : i32 to vector<16xi32>
      %parallel_loop3A_75 = arith.addi %parallel_loop3A_72, %parallel_loop3A_74 : vector<16xi32>
      %parallel_loop3A_76 = arith.constant 16 : i32
      %parallel_loop3A_77 = vector.broadcast %parallel_loop3A_76 : i32 to vector<16xi32>
      %parallel_loop3A_78 = arith.shrui %parallel_loop3A_36, %parallel_loop3A_77 : vector<16xi32>
      %parallel_loop3A_79 = arith.constant 412 : i32
      %parallel_loop3A_80 = vector.broadcast %parallel_loop3A_79 : i32 to vector<16xi32>
      %parallel_loop3A_81 = arith.addi %parallel_loop3A_78, %parallel_loop3A_80 : vector<16xi32>
      %parallel_loop3A_82 = arith.constant 65535 : i32
      %parallel_loop3A_83 = vector.broadcast %parallel_loop3A_82 : i32 to vector<16xi32>
      %parallel_loop3A_84 = arith.andi %parallel_loop3A_42, %parallel_loop3A_83 : vector<16xi32>
      %parallel_loop3A_85 = arith.constant 412 : i32
      %parallel_loop3A_86 = vector.broadcast %parallel_loop3A_85 : i32 to vector<16xi32>
      %parallel_loop3A_87 = arith.addi %parallel_loop3A_84, %parallel_loop3A_86 : vector<16xi32>
      %parallel_loop3A_88 = arith.constant 16 : i32
      %parallel_loop3A_89 = vector.broadcast %parallel_loop3A_88 : i32 to vector<16xi32>
      %parallel_loop3A_90 = arith.shrui %parallel_loop3A_42, %parallel_loop3A_89 : vector<16xi32>
      %parallel_loop3A_91 = arith.constant 412 : i32
      %parallel_loop3A_92 = vector.broadcast %parallel_loop3A_91 : i32 to vector<16xi32>
      %parallel_loop3A_93 = arith.addi %parallel_loop3A_90, %parallel_loop3A_92 : vector<16xi32>
      %parallel_loop3A_94 = arith.constant 17 : i32
      %parallel_loop3A_95 = vector.broadcast %parallel_loop3A_94 : i32 to vector<16xi32>
      %parallel_loop3A_96 = arith.muli %parallel_loop3A_30, %parallel_loop3A_95 : vector<16xi32>
      %parallel_loop3A_97 = arith.constant 17 : i32
      %parallel_loop3A_98 = vector.broadcast %parallel_loop3A_97 : i32 to vector<16xi32>
      %parallel_loop3A_99 = arith.muli %parallel_loop3A_75, %parallel_loop3A_98 : vector<16xi32>
      %parallel_loop3A_100 = arith.constant 17 : i32
      %parallel_loop3A_101 = vector.broadcast %parallel_loop3A_100 : i32 to vector<16xi32>
      %parallel_loop3A_102 = arith.muli %parallel_loop3A_81, %parallel_loop3A_101 : vector<16xi32>
      %parallel_loop3A_103 = arith.constant 17 : i32
      %parallel_loop3A_104 = vector.broadcast %parallel_loop3A_103 : i32 to vector<16xi32>
      %parallel_loop3A_105 = arith.muli %parallel_loop3A_87, %parallel_loop3A_104 : vector<16xi32>
      %parallel_loop3A_106 = arith.constant 17 : i32
      %parallel_loop3A_107 = vector.broadcast %parallel_loop3A_106 : i32 to vector<16xi32>
      %parallel_loop3A_108 = arith.muli %parallel_loop3A_93, %parallel_loop3A_107 : vector<16xi32>
      %parallel_loop3A_109 = arith.constant 17 : i32
      %parallel_loop3A_110 = vector.broadcast %parallel_loop3A_109 : i32 to vector<16xi32>
      %parallel_loop3A_111 = arith.muli %parallel_loop3A_51, %parallel_loop3A_110 : vector<16xi32>
      %parallel_loop3A_112 = arith.constant 17 : i32
      %parallel_loop3A_113 = vector.broadcast %parallel_loop3A_112 : i32 to vector<16xi32>
      %parallel_loop3A_114 = arith.muli %parallel_loop3A_60, %parallel_loop3A_113 : vector<16xi32>
      %parallel_loop3A_115 = arith.constant 17 : i32
      %parallel_loop3A_116 = vector.broadcast %parallel_loop3A_115 : i32 to vector<16xi32>
      %parallel_loop3A_117 = arith.muli %parallel_loop3A_69, %parallel_loop3A_116 : vector<16xi32>
      %parallel_loop3A_118 = arith.constant 0 : i32
      %parallel_loop3A_119 = arith.constant 16 : i32
      %parallel_loop3A_120 = arith.constant 1 : i32
      scf.for %parallel_loop3A_121 = %parallel_loop3A_118 to %parallel_loop3A_119 step %parallel_loop3A_120  : i32 {
        %parallel_loop3A_122 = vector.broadcast %parallel_loop3A_121 : i32 to vector<16xi32>
        %parallel_loop3A_123 = arith.addi %parallel_loop3A_96, %parallel_loop3A_122 : vector<16xi32>
        %parallel_loop3A_124 = tpu.vector_load_idx %arg5[%parallel_loop3A_123] : memref<20944xf32, #tpu.memory_space<vmem>>[vector<16xi32>], vector<16xf32>,
        %parallel_loop3A_125 = arith.constant 0 : i32
        %parallel_loop3A_126 = arith.addi %parallel_loop3A_125, %parallel_loop3A_121 : i32
        %parallel_loop3A_127 = arith.constant 16 : i32
        %parallel_loop3A_128 = arith.muli %parallel_loop3A_21, %parallel_loop3A_127 : i32
        %parallel_loop3A_129 = arith.index_cast %parallel_loop3A_126 : i32 to index
        %parallel_loop3A_130 = arith.index_cast %parallel_loop3A_128 : i32 to index
        %parallel_loop3A_131 = tpu.vector_load %arg7[%parallel_loop3A_129, %parallel_loop3A_130] {strides = array<i32>} : memref<128x512xf32, #tpu.memory_space<vmem>>, vector<16xf32>,
        tpu.vector_store %arg7[%parallel_loop3A_129, %parallel_loop3A_130], %parallel_loop3A_124 {strides = array<i32>} : memref<128x512xf32, #tpu.memory_space<vmem>>, vector<16xf32>,
        %parallel_loop3A_132 = vector.broadcast %parallel_loop3A_121 : i32 to vector<16xi32>
        %parallel_loop3A_133 = arith.addi %parallel_loop3A_99, %parallel_loop3A_132 : vector<16xi32>
        %parallel_loop3A_134 = tpu.vector_load_idx %arg5[%parallel_loop3A_133] : memref<20944xf32, #tpu.memory_space<vmem>>[vector<16xi32>], vector<16xf32>,
        %parallel_loop3A_135 = arith.constant 16 : i32
        %parallel_loop3A_136 = arith.addi %parallel_loop3A_135, %parallel_loop3A_121 : i32
        %parallel_loop3A_137 = arith.constant 16 : i32
        %parallel_loop3A_138 = arith.muli %parallel_loop3A_21, %parallel_loop3A_137 : i32
        %parallel_loop3A_139 = arith.index_cast %parallel_loop3A_136 : i32 to index
        %parallel_loop3A_140 = arith.index_cast %parallel_loop3A_138 : i32 to index
        %parallel_loop3A_141 = tpu.vector_load %arg7[%parallel_loop3A_139, %parallel_loop3A_140] {strides = array<i32>} : memref<128x512xf32, #tpu.memory_space<vmem>>, vector<16xf32>,
        tpu.vector_store %arg7[%parallel_loop3A_139, %parallel_loop3A_140], %parallel_loop3A_134 {strides = array<i32>} : memref<128x512xf32, #tpu.memory_space<vmem>>, vector<16xf32>,
        %parallel_loop3A_142 = vector.broadcast %parallel_loop3A_121 : i32 to vector<16xi32>
        %parallel_loop3A_143 = arith.addi %parallel_loop3A_102, %parallel_loop3A_142 : vector<16xi32>
        %parallel_loop3A_144 = tpu.vector_load_idx %arg5[%parallel_loop3A_143] : memref<20944xf32, #tpu.memory_space<vmem>>[vector<16xi32>], vector<16xf32>,
        %parallel_loop3A_145 = arith.constant 32 : i32
        %parallel_loop3A_146 = arith.addi %parallel_loop3A_145, %parallel_loop3A_121 : i32
        %parallel_loop3A_147 = arith.constant 16 : i32
        %parallel_loop3A_148 = arith.muli %parallel_loop3A_21, %parallel_loop3A_147 : i32
        %parallel_loop3A_149 = arith.index_cast %parallel_loop3A_146 : i32 to index
        %parallel_loop3A_150 = arith.index_cast %parallel_loop3A_148 : i32 to index
        %parallel_loop3A_151 = tpu.vector_load %arg7[%parallel_loop3A_149, %parallel_loop3A_150] {strides = array<i32>} : memref<128x512xf32, #tpu.memory_space<vmem>>, vector<16xf32>,
        tpu.vector_store %arg7[%parallel_loop3A_149, %parallel_loop3A_150], %parallel_loop3A_144 {strides = array<i32>} : memref<128x512xf32, #tpu.memory_space<vmem>>, vector<16xf32>,
        %parallel_loop3A_152 = vector.broadcast %parallel_loop3A_121 : i32 to vector<16xi32>
        %parallel_loop3A_153 = arith.addi %parallel_loop3A_105, %parallel_loop3A_152 : vector<16xi32>
        %parallel_loop3A_154 = tpu.vector_load_idx %arg5[%parallel_loop3A_153] : memref<20944xf32, #tpu.memory_space<vmem>>[vector<16xi32>], vector<16xf32>,
        %parallel_loop3A_155 = arith.constant 48 : i32
        %parallel_loop3A_156 = arith.addi %parallel_loop3A_155, %parallel_loop3A_121 : i32
        %parallel_loop3A_157 = arith.constant 16 : i32
        %parallel_loop3A_158 = arith.muli %parallel_loop3A_21, %parallel_loop3A_157 : i32
        %parallel_loop3A_159 = arith.index_cast %parallel_loop3A_156 : i32 to index
        %parallel_loop3A_160 = arith.index_cast %parallel_loop3A_158 : i32 to index
        %parallel_loop3A_161 = tpu.vector_load %arg7[%parallel_loop3A_159, %parallel_loop3A_160] {strides = array<i32>} : memref<128x512xf32, #tpu.memory_space<vmem>>, vector<16xf32>,
        tpu.vector_store %arg7[%parallel_loop3A_159, %parallel_loop3A_160], %parallel_loop3A_154 {strides = array<i32>} : memref<128x512xf32, #tpu.memory_space<vmem>>, vector<16xf32>,
        %parallel_loop3A_162 = vector.broadcast %parallel_loop3A_121 : i32 to vector<16xi32>
        %parallel_loop3A_163 = arith.addi %parallel_loop3A_108, %parallel_loop3A_162 : vector<16xi32>
        %parallel_loop3A_164 = tpu.vector_load_idx %arg5[%parallel_loop3A_163] : memref<20944xf32, #tpu.memory_space<vmem>>[vector<16xi32>], vector<16xf32>,
        %parallel_loop3A_165 = arith.constant 64 : i32
        %parallel_loop3A_166 = arith.addi %parallel_loop3A_165, %parallel_loop3A_121 : i32
        %parallel_loop3A_167 = arith.constant 16 : i32
        %parallel_loop3A_168 = arith.muli %parallel_loop3A_21, %parallel_loop3A_167 : i32
        %parallel_loop3A_169 = arith.index_cast %parallel_loop3A_166 : i32 to index
        %parallel_loop3A_170 = arith.index_cast %parallel_loop3A_168 : i32 to index
        %parallel_loop3A_171 = tpu.vector_load %arg7[%parallel_loop3A_169, %parallel_loop3A_170] {strides = array<i32>} : memref<128x512xf32, #tpu.memory_space<vmem>>, vector<16xf32>,
        tpu.vector_store %arg7[%parallel_loop3A_169, %parallel_loop3A_170], %parallel_loop3A_164 {strides = array<i32>} : memref<128x512xf32, #tpu.memory_space<vmem>>, vector<16xf32>,
        %parallel_loop3A_172 = vector.broadcast %parallel_loop3A_121 : i32 to vector<16xi32>
        %parallel_loop3A_173 = arith.addi %parallel_loop3A_111, %parallel_loop3A_172 : vector<16xi32>
        %parallel_loop3A_174 = tpu.vector_load_idx %arg5[%parallel_loop3A_173] : memref<20944xf32, #tpu.memory_space<vmem>>[vector<16xi32>], vector<16xf32>,
        %parallel_loop3A_175 = arith.constant 80 : i32
        %parallel_loop3A_176 = arith.addi %parallel_loop3A_175, %parallel_loop3A_121 : i32
        %parallel_loop3A_177 = arith.constant 16 : i32
        %parallel_loop3A_178 = arith.muli %parallel_loop3A_21, %parallel_loop3A_177 : i32
        %parallel_loop3A_179 = arith.index_cast %parallel_loop3A_176 : i32 to index
        %parallel_loop3A_180 = arith.index_cast %parallel_loop3A_178 : i32 to index
        %parallel_loop3A_181 = tpu.vector_load %arg7[%parallel_loop3A_179, %parallel_loop3A_180] {strides = array<i32>} : memref<128x512xf32, #tpu.memory_space<vmem>>, vector<16xf32>,
        tpu.vector_store %arg7[%parallel_loop3A_179, %parallel_loop3A_180], %parallel_loop3A_174 {strides = array<i32>} : memref<128x512xf32, #tpu.memory_space<vmem>>, vector<16xf32>,
        %parallel_loop3A_182 = vector.broadcast %parallel_loop3A_121 : i32 to vector<16xi32>
        %parallel_loop3A_183 = arith.addi %parallel_loop3A_114, %parallel_loop3A_182 : vector<16xi32>
        %parallel_loop3A_184 = tpu.vector_load_idx %arg5[%parallel_loop3A_183] : memref<20944xf32, #tpu.memory_space<vmem>>[vector<16xi32>], vector<16xf32>,
        %parallel_loop3A_185 = arith.constant 96 : i32
        %parallel_loop3A_186 = arith.addi %parallel_loop3A_185, %parallel_loop3A_121 : i32
        %parallel_loop3A_187 = arith.constant 16 : i32
        %parallel_loop3A_188 = arith.muli %parallel_loop3A_21, %parallel_loop3A_187 : i32
        %parallel_loop3A_189 = arith.index_cast %parallel_loop3A_186 : i32 to index
        %parallel_loop3A_190 = arith.index_cast %parallel_loop3A_188 : i32 to index
        %parallel_loop3A_191 = tpu.vector_load %arg7[%parallel_loop3A_189, %parallel_loop3A_190] {strides = array<i32>} : memref<128x512xf32, #tpu.memory_space<vmem>>, vector<16xf32>,
        tpu.vector_store %arg7[%parallel_loop3A_189, %parallel_loop3A_190], %parallel_loop3A_184 {strides = array<i32>} : memref<128x512xf32, #tpu.memory_space<vmem>>, vector<16xf32>,
        %parallel_loop3A_192 = vector.broadcast %parallel_loop3A_121 : i32 to vector<16xi32>
        %parallel_loop3A_193 = arith.addi %parallel_loop3A_117, %parallel_loop3A_192 : vector<16xi32>
        %parallel_loop3A_194 = tpu.vector_load_idx %arg5[%parallel_loop3A_193] : memref<20944xf32, #tpu.memory_space<vmem>>[vector<16xi32>], vector<16xf32>,
        %parallel_loop3A_195 = arith.constant 112 : i32
        %parallel_loop3A_196 = arith.addi %parallel_loop3A_195, %parallel_loop3A_121 : i32
        %parallel_loop3A_197 = arith.constant 16 : i32
        %parallel_loop3A_198 = arith.muli %parallel_loop3A_21, %parallel_loop3A_197 : i32
        %parallel_loop3A_199 = arith.index_cast %parallel_loop3A_196 : i32 to index
        %parallel_loop3A_200 = arith.index_cast %parallel_loop3A_198 : i32 to index
        %parallel_loop3A_201 = tpu.vector_load %arg7[%parallel_loop3A_199, %parallel_loop3A_200] {strides = array<i32>} : memref<128x512xf32, #tpu.memory_space<vmem>>, vector<16xf32>,
        tpu.vector_store %arg7[%parallel_loop3A_199, %parallel_loop3A_200], %parallel_loop3A_194 {strides = array<i32>} : memref<128x512xf32, #tpu.memory_space<vmem>>, vector<16xf32>,
      } {sc.loop_unroll_factor = 4 : i64, sc.parallel_access}
    } {sc.loop_unroll_factor = 1 : i64, sc.parallel_access}
    %mul3A_19 = arith.constant 512 : i32
    %mul3A_20 = arith.muli %add3A, %mul3A_19 : i32
    "tpu.region"() ({
      %run_scoped3A = tpu.sem_alloc : memref<!tpu.dma_semaphore, #tpu.memory_space<semaphore_mem>>
      %dma_start3A = arith.constant 0 : i32
      %dma_start3A_21 = tpu.memref_slice %arg4[%dma_start3A, %mul3A_20] : memref<128x16384xf32, #tpu.memory_space<hbm>> -> memref<128x512xf32, #tpu.memory_space<hbm>>
      %dma_start3A_22 = arith.constant 0 : i32
      %dma_start3A_23 = tpu.memref_slice %arg4[%dma_start3A_22, %mul3A_20] : memref<128x16384xf32, #tpu.memory_space<hbm>> -> memref<128x512xf32, #tpu.memory_space<hbm>>
      tpu.enqueue_dma source(%arg7 : memref<128x512xf32, #tpu.memory_space<vmem>>) target(%dma_start3A_23 : memref<128x512xf32, #tpu.memory_space<hbm>>) target_semaphore(%run_scoped3A : memref<!tpu.dma_semaphore, #tpu.memory_space<semaphore_mem>>)
      %dma_wait3A = arith.constant 0 : i32
      %dma_wait3A_24 = tpu.memref_slice %arg4[%dma_wait3A, %mul3A_20] : memref<128x16384xf32, #tpu.memory_space<hbm>> -> memref<128x512xf32, #tpu.memory_space<hbm>>
      %dma_wait3A_25 = arith.constant 0 : i32
      %dma_wait3A_26 = tpu.memref_slice %arg4[%dma_wait3A_25, %mul3A_20] : memref<128x16384xf32, #tpu.memory_space<hbm>> -> memref<128x512xf32, #tpu.memory_space<hbm>>
      tpu.wait_dma2 semaphore(%run_scoped3A : memref<!tpu.dma_semaphore, #tpu.memory_space<semaphore_mem>>) src(%arg7 : memref<128x512xf32, #tpu.memory_space<vmem>>) dst(%dma_wait3A_26 : memref<128x512xf32, #tpu.memory_space<hbm>>)
      tpu.yield
    }) : () -> ()
    return
  }
}

module attributes {stable_mosaic.version = 14 : i64} {
  func.func @_mlp_body(%arg0: i32, %arg1: memref<128x8192xf32, #tpu.memory_space<vmem>>, %arg2: memref<16x8192xf32, #tpu.memory_space<vmem>>, %arg3: memref<128x128xf32, #tpu.memory_space<vmem>>, %arg4: memref<16x128xf32, #tpu.memory_space<vmem>>, %arg5: memref<1x128xf32, #tpu.memory_space<vmem>>, %arg6: memref<128x128xf32, #tpu.memory_space<vmem>>, %arg7: memref<1x128xf32, #tpu.memory_space<vmem>>, %arg8: memref<8192x128xf32, #tpu.memory_space<vmem>>) attributes {dimension_semantics = [#tpu.dimension_semantics<arbitrary>], iteration_bounds = array<i64: 2>, scalar_prefetch = 0 : i64, scratch_operands = 0 : i64, tpu.core_type = #tpu.core_type<tc>, window_params = [{transform_indices = @transform_0, window_bounds = array<i64: 128, 8192>}, {transform_indices = @transform_1, window_bounds = array<i64: 16, 8192>}, {pipeline_mode = #tpu.pipeline_mode<synchronous>, transform_indices = @transform_2, window_bounds = array<i64: 128, 128>}, {pipeline_mode = #tpu.pipeline_mode<synchronous>, transform_indices = @transform_3, window_bounds = array<i64: 16, 128>}, {pipeline_mode = #tpu.pipeline_mode<synchronous>, transform_indices = @transform_4, window_bounds = array<i64: 1, 128>}, {pipeline_mode = #tpu.pipeline_mode<synchronous>, transform_indices = @transform_5, window_bounds = array<i64: 128, 128>}, {pipeline_mode = #tpu.pipeline_mode<synchronous>, transform_indices = @transform_6, window_bounds = array<i64: 1, 128>}, {transform_indices = @transform_7, window_bounds = array<i64: 8192, 128>}]} {
    %get3A = arith.constant 0 : index
    %get3A_0 = arith.constant 0 : index
    %get3A_1 = vector.load %arg1[%get3A, %get3A_0] : memref<128x8192xf32, #tpu.memory_space<vmem>>, vector<128x8192xf32>
    %get3A_2 = arith.constant 0 : index
    %get3A_3 = arith.constant 0 : index
    %get3A_4 = vector.load %arg3[%get3A_2, %get3A_3] : memref<128x128xf32, #tpu.memory_space<vmem>>, vector<128x128xf32>
    %dot_general3A = arith.constant dense<0.000000e+00> : vector<8192x128xf32>
    %dot_general3A_5 = tpu.matmul %get3A_1, %get3A_4, %dot_general3A {dimension_numbers = #tpu.dot_dimension_numbers<[0], [0], [1], [1], [0, 1, 1, 1], [], []>, transpose_lhs_hint = false} : vector<128x8192xf32>, vector<128x128xf32>, vector<8192x128xf32> -> vector<8192x128xf32>
    %get3A_6 = arith.constant 0 : index
    %get3A_7 = arith.constant 0 : index
    %get3A_8 = vector.load %arg2[%get3A_6, %get3A_7] : memref<16x8192xf32, #tpu.memory_space<vmem>>, vector<16x8192xf32>
    %get3A_9 = arith.constant 0 : index
    %get3A_10 = arith.constant 0 : index
    %get3A_11 = vector.load %arg4[%get3A_9, %get3A_10] : memref<16x128xf32, #tpu.memory_space<vmem>>, vector<16x128xf32>
    %dot_general3A_12 = arith.constant dense<0.000000e+00> : vector<8192x128xf32>
    %dot_general3A_13 = tpu.matmul %get3A_8, %get3A_11, %dot_general3A_12 {dimension_numbers = #tpu.dot_dimension_numbers<[0], [0], [1], [1], [0, 1, 1, 1], [], []>, transpose_lhs_hint = false} : vector<16x8192xf32>, vector<16x128xf32>, vector<8192x128xf32> -> vector<8192x128xf32>
    %add3A = arith.addf %dot_general3A_5, %dot_general3A_13 : vector<8192x128xf32>
    %get3A_14 = arith.constant 0 : index
    %get3A_15 = arith.constant 0 : index
    %get3A_16 = vector.load %arg5[%get3A_14, %get3A_15] : memref<1x128xf32, #tpu.memory_space<vmem>>, vector<1x128xf32>
    %add3A_17 = vector.broadcast %get3A_16 : vector<1x128xf32> to vector<8192x128xf32>
    %add3A_18 = arith.addf %add3A, %add3A_17 : vector<8192x128xf32>
    %max3A = arith.constant 0.000000e+00 : f32
    %max3A_19 = vector.broadcast %max3A : f32 to vector<8192x128xf32>
    %max3A_20 = arith.maximumf %add3A_18, %max3A_19 : vector<8192x128xf32>
    %get3A_21 = arith.constant 0 : index
    %get3A_22 = arith.constant 0 : index
    %get3A_23 = vector.load %arg6[%get3A_21, %get3A_22] : memref<128x128xf32, #tpu.memory_space<vmem>>, vector<128x128xf32>
    %dot_general3A_24 = arith.constant dense<0.000000e+00> : vector<8192x128xf32>
    %dot_general3A_25 = tpu.matmul %max3A_20, %get3A_23, %dot_general3A_24 {dimension_numbers = #tpu.dot_dimension_numbers<[1], [0], [0], [1], [0, 0, 1, 1], [], []>, transpose_lhs_hint = false} : vector<8192x128xf32>, vector<128x128xf32>, vector<8192x128xf32> -> vector<8192x128xf32>
    %get3A_26 = arith.constant 0 : index
    %get3A_27 = arith.constant 0 : index
    %get3A_28 = vector.load %arg7[%get3A_26, %get3A_27] : memref<1x128xf32, #tpu.memory_space<vmem>>, vector<1x128xf32>
    %add3A_29 = vector.broadcast %get3A_28 : vector<1x128xf32> to vector<8192x128xf32>
    %add3A_30 = arith.addf %dot_general3A_25, %add3A_29 : vector<8192x128xf32>
    %swap3A = arith.constant 0 : index
    %swap3A_31 = arith.constant 0 : index
    %swap3A_32 = vector.load %arg8[%swap3A, %swap3A_31] : memref<8192x128xf32, #tpu.memory_space<vmem>>, vector<8192x128xf32>
    tpu.vector_store %arg8[%swap3A, %swap3A_31], %add3A_30 {strides = array<i32>} : memref<8192x128xf32, #tpu.memory_space<vmem>>, vector<8192x128xf32>,
    return
  }
  func.func @transform_0(%arg0: i32) -> (i32, i32) {
    %c0_i32 = arith.constant 0 : i32
    %c0_i32_0 = arith.constant 0 : i32
    return %c0_i32, %arg0 : i32, i32
  }
  func.func @transform_1(%arg0: i32) -> (i32, i32) {
    %c0_i32 = arith.constant 0 : i32
    %c0_i32_0 = arith.constant 0 : i32
    return %c0_i32, %arg0 : i32, i32
  }
  func.func @transform_2(%arg0: i32) -> (i32, i32) {
    %c0_i32 = arith.constant 0 : i32
    %c0_i32_0 = arith.constant 0 : i32
    %c0_i32_1 = arith.constant 0 : i32
    return %c0_i32, %c0_i32_0 : i32, i32
  }
  func.func @transform_3(%arg0: i32) -> (i32, i32) {
    %c0_i32 = arith.constant 0 : i32
    %c0_i32_0 = arith.constant 0 : i32
    %c0_i32_1 = arith.constant 0 : i32
    return %c0_i32, %c0_i32_0 : i32, i32
  }
  func.func @transform_4(%arg0: i32) -> (i32, i32) {
    %c0_i32 = arith.constant 0 : i32
    %c0_i32_0 = arith.constant 0 : i32
    %c0_i32_1 = arith.constant 0 : i32
    return %c0_i32, %c0_i32_0 : i32, i32
  }
  func.func @transform_5(%arg0: i32) -> (i32, i32) {
    %c0_i32 = arith.constant 0 : i32
    %c0_i32_0 = arith.constant 0 : i32
    %c0_i32_1 = arith.constant 0 : i32
    return %c0_i32, %c0_i32_0 : i32, i32
  }
  func.func @transform_6(%arg0: i32) -> (i32, i32) {
    %c0_i32 = arith.constant 0 : i32
    %c0_i32_0 = arith.constant 0 : i32
    %c0_i32_1 = arith.constant 0 : i32
    return %c0_i32, %c0_i32_0 : i32, i32
  }
  func.func @transform_7(%arg0: i32) -> (i32, i32) {
    %c0_i32 = arith.constant 0 : i32
    %c0_i32_0 = arith.constant 0 : i32
    return %arg0, %c0_i32 : i32, i32
  }
}

</mosaic_0001>

<sc_bundles>
// kernel: kernel.4.cloned.1.call-start
scs
__scs_entry_jumppad:
0x0: {  	(pc) =	sbr.rel $0x88, $3  }
0x1: {  	(tag) =	ssettag $0x0;
	lr =	simm.s32 $0x1  }
0x2: {  	[smem:$0x3F8A] =	sst lr;
	_ =	strace $0xD0000000  }
0x3: {  	_ = 	snop  }
0x4: {  	_ = 	snop  }
0x5: {  	_ = 	snop  }
0x6: {  	_ = 	snop  }
0x7: {  	_ = 	snop  }
__scs_overlays_trampoline_lowered:
0x8: {  	[smem:$0x3F99] =	sst s0  }
0x9: {  	[smem:$0x3F9A] =	sst s1  }
0xa: {  	[smem:$0x3F9B] =	sst s2  }
0xb: {  	[smem:$0x3F9C] =	sst s3  }
0xc: {  	[smem:$0x3F9D] =	sst s4  }
0xd: {  	[smem:$0x3F9E] =	sst s5  }
0xe: {  	[smem:$0x3F9F] =	sst s6  }
0xf: {  	[smem:$0x3FA0] =	sst s7  }
0x10: {  	[smem:$0x3FA1] =	sst s8  }
0x11: {  	[smem:$0x3FA2] =	sst s9;
	s0 =	simm.s32 @!p0 $0x0  }
0x12: {  	s1 =	sld [smem:$0x3F88];
	s0 =	simm.s32 @p0 $0x1  }
0x13: {  	[smem:$0x3FA3] =	sst s0;
	s0 =	simm.s32 @!p1 $0x0  }
0x14: {  	s2 =	sld [smem:$0x3F87];
	s0 =	simm.s32 @p1 $0x1  }
0x15: {  	[smem:$0x3FA4] =	sst s0;
	s0 =	simm.s32 @!p2 $0x0  }
0x16: {  	s3 =	sld [smem:$0x3FDB];
	s0 =	simm.s32 @p2 $0x1  }
0x17: {  	s4 =	simm.s32 $0x1BF5;
	[smem:$0x3FA6] =	sst s0  }
0x18: {  	s0 =	sld [smem:$0x3F89];
	_ =	swait.ge [sflag:s4], $0x0  }
0x19: {  	s7 =	sld [smem:$0x3F8A]  }
0x1a: {  	s8 =	sadd.s32 $0xFFFFE003, lr  }
0x1b: {  	s9 =	sadd.s32 $0xFFFFFEF7, lr;
	s5 =	simm.s32 $0xFFFFFFFF;
	p2 =	slt.u32 s8, $0xFFFFF086  }
0x1c: {  	p1 =	slt.u32 s9, $0xF7A;
	s5 =	simm.s32 @!p2 $0x0  }
0x1d: {  	s5 =	simm.s32 @p1 $0x1;
	p0 =	seq.s32 s7, s2  }
0x1e: {  	s7 =	smul.u32 @!p0 $0xF7A, s2;
	p2 =	seq.s32 @!p0 s5, $0x0  }
0x1f: {  	s9 =	smul.u32 $0xF7A, s1;
	s8 =	simm.s32 @!p0 $0x1BF5;
	p2 =	por !p2, p0  }
0x20: {  	[sflag:s8] =	ssyncset.s32 @!p0 $0xFFFFF086;
	s6 =	sadd.s32 @!p0 s3, s7;
	s7 =	simm.s32 @!p0 $0x108  }
0x21: {  	s3 =	sadd.s32 s3, s9;
	s6 =	sadd.s32 @!p0 $0x88, s6;
	s7 =	simm.s32 @p2 $0x1082  }
0x22: {  	[simem:s7], [sflag:s8] =	dma.local @!p0 [hbm:s6], $0xF7A  }
0x23: {  	s9 =	sor.u32 $0xD0000000, s2;
	s6 =	simm.s32 $0x108;
	_ =	swait.ge @!p0 [sflag:s8], $0x0  }
0x24: {  	s3 =	sadd.s32 $0x88, s3;
	s6 =	simm.s32 @!p1 $0x1082;
	[sflag:s4] =	ssyncset.s32 $0xFFFFF086  }
0x25: {  	[simem:s6], [sflag:s4] =	dma.local [hbm:s3], $0xF7A  }
0x26: {  	[smem:$0x3F8A] =	sst s1;
	(tag) =	ssettag s2;
	_ =	strace s9  }
0x27: {  	s1 =	sld [smem:$0x3F9A]  }
0x28: {  	s2 =	sld [smem:$0x3F9B]  }
0x29: {  	s4 =	sld [smem:$0x3F9D]  }
0x2a: {  	p0 =	seq.s32 s5, $0x0;
	s5 =	sld [smem:$0x3F9E]  }
0x2b: {  	s6 =	sld [smem:$0x3F9F]  }
0x2c: {  	s7 =	sld [smem:$0x3FA0]  }
0x2d: {  	s3 =	simm.s32 $0x108;
	s8 =	sld [smem:$0x3FA1]  }
0x2e: {  	s3 =	simm.s32 @!p0 $0x1082;
	s9 =	sld [smem:$0x3FA2]  }
0x2f: {  	lr =	sadd.s32 s0, s3;
	s0 =	sld [smem:$0x3F99]  }
0x30: {  	s3 =	sld [smem:$0x3F9C]  }
0x31: {  	[smem:$0x3FA5] =	sst s10  }
0x32: {  	s10 =	sld [smem:$0x3FA3];
	_ =	sdelay $0x3  }
0x33: {  	p0 =	seq.s32 s10, $0x1;
	s10 =	sld [smem:$0x3FA5];
	_ =	sdelay $0x3  }
0x34: {  	[smem:$0x3FA5] =	sst s10  }
0x35: {  	s10 =	sld [smem:$0x3FA4];
	_ =	sdelay $0x3  }
0x36: {  	p1 =	seq.s32 s10, $0x1;
	s10 =	sld [smem:$0x3FA5];
	_ =	sdelay $0x3  }
0x37: {  	[smem:$0x3FA5] =	sst s10  }
0x38: {  	s10 =	sld [smem:$0x3FA6]  }
0x39: {  	_ = 	snop;
	(pc) =	sbr.ind lr, $3  }
0x3a: {  	_ = 	snop  }
0x3b: {  	_ = 	snop  }
0x3c: {  	p2 =	seq.s32 s10, $0x1;
	s10 =	sld [smem:$0x3FA5]  }
0x3d: {  	_ =	shalt  }
0x3e: {  	_ =	shalt  }
0x3f: {  	_ =	shalt  }
0x40: {  	_ =	shalt  }
0x41: {  	_ =	shalt  }
0x42: {  	_ =	shalt  }
0x43: {  	_ =	shalt  }
0x44: {  	_ =	shalt  }
0x45: {  	_ =	shalt  }
0x46: {  	_ =	shalt  }
0x47: {  	_ =	shalt  }
0x48: {  	_ =	shalt  }
0x49: {  	_ =	shalt  }
0x4a: {  	_ =	shalt  }
0x4b: {  	_ =	shalt  }
0x4c: {  	_ =	shalt  }
0x4d: {  	_ =	shalt  }
0x4e: {  	_ =	shalt  }
0x4f: {  	_ =	shalt  }
0x50: {  	_ =	shalt  }
0x51: {  	_ =	shalt  }
0x52: {  	_ =	shalt  }
0x53: {  	_ =	shalt  }
0x54: {  	_ =	shalt  }
0x55: {  	_ =	shalt  }
0x56: {  	_ =	shalt  }
0x57: {  	_ =	shalt  }
0x58: {  	_ =	shalt  }
0x59: {  	_ =	shalt  }
0x5a: {  	_ =	shalt  }
0x5b: {  	_ =	shalt  }
0x5c: {  	_ =	shalt  }
0x5d: {  	_ =	shalt  }
0x5e: {  	_ =	shalt  }
0x5f: {  	_ =	shalt  }
0x60: {  	_ =	shalt  }
0x61: {  	_ =	shalt  }
0x62: {  	_ =	shalt  }
0x63: {  	_ =	shalt  }
0x64: {  	_ =	shalt  }
0x65: {  	_ =	shalt  }
0x66: {  	_ =	shalt  }
0x67: {  	_ =	shalt  }
0x68: {  	_ =	shalt  }
0x69: {  	_ =	shalt  }
0x6a: {  	_ =	shalt  }
0x6b: {  	_ =	shalt  }
0x6c: {  	_ =	shalt  }
0x6d: {  	_ =	shalt  }
0x6e: {  	_ =	shalt  }
0x6f: {  	_ =	shalt  }
0x70: {  	_ =	shalt  }
0x71: {  	_ =	shalt  }
0x72: {  	_ =	shalt  }
0x73: {  	_ =	shalt  }
0x74: {  	_ =	shalt  }
0x75: {  	_ =	shalt  }
0x76: {  	_ =	shalt  }
0x77: {  	_ =	shalt  }
0x78: {  	_ =	shalt  }
0x79: {  	_ =	shalt  }
0x7a: {  	_ =	shalt  }
0x7b: {  	_ =	shalt  }
0x7c: {  	_ =	shalt  }
0x7d: {  	_ =	shalt  }
0x7e: {  	_ =	shalt  }
0x7f: {  	_ =	shalt  }
0x80: {  	_ =	shalt  }
0x81: {  	_ =	shalt  }
0x82: {  	_ =	shalt  }
0x83: {  	_ =	shalt  }
0x84: {  	_ =	shalt  }
0x85: {  	_ =	shalt  }
0x86: {  	_ =	shalt  }
0x87: {  	_ =	shalt  }
.Lfunc_end0:
.L_simem_size_0:
called_computation_lowered:
.L_overlay_start_0:
0x88: {  	s2 =	sld [smem:$0x3FD9]  }
0x89: {  	s3 =	sld [smem:$0x3FFE];
	_ =	sdelay $0x1  }
0x8a: {  	s1 =	srdreg.scid  }
0x8b: {  	s0 =	sand.u32 $0x1, s1  }
0x8c: {  	s17 =	sshll.u32 s0, $0xA;
	s2 =	sadd.s32 s3, s2  }
0x8d: {  	s2 =	sadd.s32 s2, s17  }
0x8e: {  	[smem:$0x3FB1] =	sst s2  }
0x8f: {  	_ = 	snop  }
0x90: {  	s2 =	sld [smem:$0x3FD0];
	(tm) =	ssettm $0x1  }
0x91: {  	s18 =	sld [smem:$0x3FFB];
	_ =	sdelay $0x3  }
0x92: {  	_ =	strace s18  }
0x93: {  	s3 =	sld [smem:$0x3FFC];
	_ =	sdelay $0x3  }
0x94: {  	_ =	strace s3  }
0x95: {  	s3 =	sld [smem:$0x3FFD];
	_ =	sdelay $0x3  }
0x96: {  	_ =	strace s3  }
0x97: {  	_ =	strace $0x8FFFFFFF  }
0x98: {  	s19 =	sld [smem:$0x3FDB];
	_ =	sdelay $0x1  }
0x99: {  	s4 =	simm.s32 $_scs_section_size  }
0x9a: {  	s5 =	simm.s32 $_size__tile_overlayer_lowered;
	s6 =	simm.s32 $_tile_overlayer_lowered  }
0x9b: {  	s22 =	simm.s32 $0x1BFF;
	s21 =	sshll.u32 s6, $0x1;
	s3 =	sadd.s32 s4, s19  }
0x9c: {  	s7 =	simm.s32 $0x0;
	s20 =	sshll.u32 s5, $0x1;
	s5 =	sadd.s32 s21, s3  }
0x9d: {  	[timem:s7], [sflag:s22] =	dma.local [hbm:s5], s20  }
0x9e: {  	_ =	swait.ge [sflag:s22], s20  }
0x9f: {  	s4 =	ssub.s32 $0x0, s20;
	[sflag:s22] =	ssyncset.done $0x0  }
0xa0: {  	[sflag:s22] =	ssyncadd.s32 s4;
	_ =	sdelay $0x1  }
0xa1: {  	s23 =	simm.s32 $0x1B8B  }
0xa2: {  	_ =	swait.ge [sflag:s23], $0x1  }
0xa3: {  	[sflag:s23] =	ssyncset.done $0x0  }
0xa4: {  	s25 =	simm.s32 $0x1B8E;
	s24 =	sld [smem:$0x3FFE];
	[sflag:s23] =	ssyncadd.s32 $0xFFFFFFFF  }
0xa5: {  	s26 =	simm.s32 $execute0_lowered;
	[smem:$0x3FD2] =	sst s25  }
0xa6: {  	s5 =	sshll.u32 s26, $0x1;
	_ =	strace $0x80000046;
	[dreg:$0x1] =	wrdreg $0xFFFFFFFF  }
0xa7: {  	s28 =	simm.s32 $_size_execute0_lowered;
	s3 =	sadd.s32 s3, s5;
	[dreg:$0x0] =	wrdreg $0x0  }
0xa8: {  	s5 =	sshll.u32 s28, $0x1;
	[dreg:$0x2] =	wrdreg s3  }
0xa9: {  	[dreg:$0x3] =	wrdreg s5  }
0xaa: {  	[dreg:$0x4] =	wrdreg $0xC0  }
0xab: {  	_ =	task [dreg:s7], $0x5FFFF  }
0xac: {  	[dreg:$0x1] =	wrdreg $0xFFFFFFFF  }
0xad: {  	[dreg:$0x0] =	wrdreg $0x60  }
0xae: {  	[dreg:$0x2] =	wrdreg s24  }
0xaf: {  	[dreg:$0x3] =	wrdreg s2  }
0xb0: {  	[dreg:$0x4] =	wrdreg $0x9  }
0xb1: {  	_ =	task.clear_ibuf [dreg:s7], $0x5FFFF;
	_ =	strace $0x90000046  }
0xb2: {  	s29 =	simm.s32 $0x9;
	_ =	strace $0x80000048  }
0xb3: {  	_ =	swait.ge [sflag:s29], $0x1  }
0xb4: {  	[sflag:s29] =	ssyncadd.s32 $0xFFFFFFFF  }
0xb5: {  	_ =	strace $0x90000048  }
0xb6: {  	_ =	sfence  }
0xb7: {  	s30 =	sld [smem:$0x0];
	_ =	sdelay $0x2  }
0xb8: {  	s31 =	sshll.u32 s1, $0xD;
	s1 =	sshrl.u32 s1, $0x2  }
0xb9: {  	s3 =	sand.u32 $0x4000, s31;
	s1 =	sadd.s32 s1, s30  }
0xba: {  	s0 =	sor.u32 s3, s0;
	s1 =	sshll.u32 s1, $0x11  }
0xbb: {  	s0 =	sor.u32 s1, s0  }
0xbc: {  	s0 =	sadd.s32 $0x8F2B, s0  }
0xbd: {  	[sflag:s0] =	ssyncadd.remote.s32 $0x1  }
0xbe: {  	_ =	sfence.sel $0xFFFF  }
0xbf: {  	[dreg:$0x0] =	wrdreg $0xFFFFFFFF;
	(pc) =	sbr.abs _section_cstart, $3  }
0xc0: {  	[dreg:$0x1] =	wrdreg $0xFFFFFFFF  }
0xc1: {  	_ =	task.clear_ibuf [dreg:s7], $0x2FFFF;
	_ =	strace $0x9FFFFFFF  }
0xc2: {  	(tm) =	ssettm $0x7FFFFFFF  }
0xc3: {  	_ =	shalt  }
tec
execute0_lowered:
.L_overlay_start_1:
0x0: {  	(tag) =	ssettag $0x1  }
0x1: {  	s0 =	srdreg.scid;
	s1 =	rddreg [dreg:$0x0]  }
0x2: {  	s2 =	stileid.u32;
	s3 =	rddreg [dreg:$0x1]  }
0x3: {  	s0 =	sand.u32 $0x1, s0;
	s4 =	sshll.u32 s2, $0xA;
	s2 =	simm.s32 $0x0  }
0x4: {  	s5 =	sshll.u32 s0, $0x9;
	[smem:$0x7FF] =	sst s2;
	s0 =	ssub.s32 $0x2, s0  }
0x5: {  	s4 =	sor.u32 s5, s4;
	_ =	strace $0x80000047;
	s6 =	sshrl.u32 s0, $0x1  }
0x6: {  	s5 =	sshrl.u32 s4, $0x3;
	s0 =	ssub.s32 s0, s6;
	s31 =	sadd.s32 s3, s4  }
0x7: {  	s5 =	sadd.s32 s5, s1;
	s1 =	sadd.s32 $0x2200, s1;
	[dreg:$0xa] =	wrdreg s31  }
0x8: {  	s0 =	smax.u32 s0, $0x1;
	[dreg:$0x3] =	wrdreg s1  }
0x9: {  	s24 =	sadd.s32 $0x2E00, s5;
	[dreg:$0xb] =	wrdreg s0  }
0xa: {  	s25 =	sadd.s32 $0x3600, s5;
	[dreg:$0x4] =	wrdreg s24  }
0xb: {  	s26 =	sadd.s32 $0x3E00, s5;
	[dreg:$0x5] =	wrdreg s25  }
0xc: {  	s28 =	sadd.s32 $0x4600, s5;
	[dreg:$0x6] =	wrdreg s26  }
0xd: {  	s29 =	sadd.s32 $0x4E00, s5;
	[dreg:$0x7] =	wrdreg s28  }
0xe: {  	s30 =	sadd.s32 $0x5600, s5;
	[dreg:$0x8] =	wrdreg s29  }
0xf: {  	s12 =	simm.s32 $0x1;
	s1 =	simm.s32 $0x0;
	[dreg:$0x9] =	wrdreg s30  }
.LBB2_1:
0x10: {  	[dreg:$0xc] =	wrdreg s1  }
0x11: {  	s0 =	rddreg [dreg:$0x3]  }
0x12: {  	[tilespmem:s2], [sflag:$0x1] =	stream.linear.gather [hbm4b:s0+s2], $0x5200, $0x38;
	[tilespmem:$0x15E00] =	vst v63  }
0x13: {  	_ =	swait.ge [sflag:s12], $0x5200  }
0x14: {  	[sflag:s12] =	ssyncset.done $0x0  }
0x15: {  	s20 =	simm.s32 $0x5200;
	s19 =	rddreg [dreg:$0x4];
	[sflag:s12] =	ssyncadd.s32 $0xFFFFAE00  }
0x16: {  	[tilespmem:s20], [sflag:$0x1] =	stream.linear.gather [hbm4b:s19+s2], $0x200, $0x38;
	[tilespmem:$0x15E00] =	vst v63  }
0x17: {  	_ =	swait.ge [sflag:s12], $0x200  }
0x18: {  	[sflag:s12] =	ssyncset.done $0x0  }
0x19: {  	s22 =	simm.s32 $0x5400;
	s21 =	rddreg [dreg:$0x5];
	[sflag:s12] =	ssyncadd.s32 $0xFFFFFE00  }
0x1a: {  	[tilespmem:s22], [sflag:$0x1] =	stream.linear.gather [hbm4b:s21+s2], $0x200, $0x38;
	[tilespmem:$0x15E00] =	vst v63  }
0x1b: {  	_ =	swait.ge [sflag:s12], $0x200  }
0x1c: {  	[sflag:s12] =	ssyncset.done $0x0  }
0x1d: {  	s24 =	simm.s32 $0x5600;
	s23 =	rddreg [dreg:$0x6];
	[sflag:s12] =	ssyncadd.s32 $0xFFFFFE00  }
0x1e: {  	[tilespmem:s24], [sflag:$0x1] =	stream.linear.gather [hbm4b:s23+s2], $0x200, $0x38;
	[tilespmem:$0x15E00] =	vst v63  }
0x1f: {  	_ =	swait.ge [sflag:s12], $0x200  }
0x20: {  	[sflag:s12] =	ssyncset.done $0x0  }
0x21: {  	s26 =	simm.s32 $0x5800;
	s25 =	rddreg [dreg:$0x7];
	[sflag:s12] =	ssyncadd.s32 $0xFFFFFE00  }
0x22: {  	[tilespmem:s26], [sflag:$0x1] =	stream.linear.gather [hbm4b:s25+s2], $0x200, $0x38;
	[tilespmem:$0x15E00] =	vst v63  }
0x23: {  	_ =	swait.ge [sflag:s12], $0x200  }
0x24: {  	[sflag:s12] =	ssyncset.done $0x0  }
0x25: {  	s29 =	simm.s32 $0x5A00;
	s28 =	rddreg [dreg:$0x8];
	[sflag:s12] =	ssyncadd.s32 $0xFFFFFE00  }
0x26: {  	[tilespmem:s29], [sflag:$0x1] =	stream.linear.gather [hbm4b:s28+s2], $0x200, $0x38;
	[tilespmem:$0x15E00] =	vst v63  }
0x27: {  	_ =	swait.ge [sflag:s12], $0x200  }
0x28: {  	[sflag:s12] =	ssyncset.done $0x0  }
0x29: {  	s31 =	simm.s32 $0x5C00;
	s30 =	rddreg [dreg:$0x9];
	[sflag:s12] =	ssyncadd.s32 $0xFFFFFE00  }
0x2a: {  	[tilespmem:s31], [sflag:$0x1] =	stream.linear.gather [hbm4b:s30+s2], $0x200, $0x38;
	[tilespmem:$0x15E00] =	vst v63  }
0x2b: {  	_ =	swait.ge [sflag:s12], $0x200  }
0x2c: {  	[sflag:s12] =	ssyncset.done $0x0  }
0x2d: {  	s23 =	simm.s32 $0x0;
	[sflag:s12] =	ssyncadd.s32 $0xFFFFFE00  }
.LBB2_2:
0x2e: {  	s0 =	sshll.u32 s23, $0x4  }
0x2f: {  	v0 =	vld [tilespmem:s0+$0x5200];
	_ =	sdelay $0x2  }
0x30: {  	s1 =	sshll.u32 s23, $0x7;
	s26 =	simm.s32 $0x0;
	s6 =	sand.u32 $0x1F0, s0  }
0x31: {  	s8 =	simm.s32 $0x100;
	s30 =	simm.s32 $0x4;
	s3 =	simm.s32 $0x3;
	v3 =	vld [tilespmem:s6+$0x5400]  }
0x32: {  	s4 =	simm.s32 $0x1;
	s5 =	simm.s32 $0x2;
	s9 =	simm.s32 $0x180;
	v1 =	vmul.u32 $0x11, v0  }
0x33: {  	s25 =	simm.s32 $0x200;
	s13 =	simm.s32 $0x80;
	s20 =	simm.s32 $0x8  }
0x34: {  	s19 =	simm.s32 $0xE400;
	s21 =	simm.s32 $0xE600;
	s22 =	simm.s32 $0x4200;
	v5 =	vld [tilespmem:s6+$0x5600];
	v4 =	vadd.s32 s4, v1  }
0x35: {  	s10 =	simm.s32 $0x2400;
	s11 =	simm.s32 $0x980;
	s29 =	sand.u32 $0xC00, s1;
	v12 =	vld [tilespmem:s6+$0x5800];
	v6 =	vadd.s32 s5, v1  }
0x36: {  	s0 =	sand.u32 $0x70, s0;
	s7 =	sand.u32 $0x200, s26;
	s17 =	sand.u32 $0x1000, s26;
	v7 =	vld [tilespmem:s6+$0x5A00];
	v0 =	vand.u32 $0xFFFF, v3  }
0x37: {  	s1 =	sand.u32 $0x200, s25;
	s9 =	sand.u32 $0x380, s9;
	s18 =	sand.u32 $0x280, s13;
	v8 =	vld [tilespmem:s6+$0x5C00];
	v9 =	vmul.u32 $0x11, v0;
	v11 =	vadd.s32 s3, v1  }
0x38: {  	s8 =	sand.u32 $0x300, s8;
	s13 =	simm.s32 $0x300;
	s24 =	sadd.s32 $0x5E00, s29;
	v0 =	vmov s0;
	v13 =	vld.idx.msk [tilespmem:v1+s2+$0x0], $0xffff  }
0x39: {  	s14 =	sor.u32 s29, s17;
	s17 =	simm.s32 $0x2200;
	s6 =	sand.u32 $0xF000, s21;
	v2 =	vadd.s32 $0x1B5C, v9;
	v4 =	vld.idx.msk [tilespmem:v4+s2+$0x0], $0xffff  }
0x3a: {  	s21 =	sand.u32 $0x5000, s22;
	s22 =	simm.s32 $0x1080;
	s15 =	sadd.s32 $0x5E00, s14;
	v14 =	vadd.s32 s4, v2;
	v6 =	vld.idx.msk [tilespmem:v6+s2+$0x0], $0xffff  }
0x3b: {  	s17 =	sand.u32 $0x3000, s17;
	s28 =	sadd.s32 s7, s14;
	s14 =	sand.u32 $0x380, s11;
	v15 =	vadd.s32 s5, v2  }
0x3c: {  	s11 =	simm.s32 $0x6200;
	s16 =	sadd.s32 s7, s15;
	s8 =	sadd.s32 s8, s15;
	v3 =	vshrl.u32 v3, $0x10;
	v11 =	vld.idx.msk [tilespmem:v11+s2+$0x0], $0xffff  }
0x3d: {  	s9 =	sadd.s32 s9, s15;
	s15 =	sadd.s32 s18, s15;
	s18 =	simm.s32 $0x880;
	v10 =	vmul.u32 $0x11, v3;
	[tilespmem:v0+s16+$0x0 ss:$0x1] =	vst.idx.msk $0xffff, v13;
	v13 =	vadd.s32 s3, v2  }
0x3e: {  	s17 =	sadd.s32 s17, s24;
	s7 =	sand.u32 $0x3000, s10;
	s10 =	sand.u32 $0x280, s22;
	v16 =	vld.idx.msk [tilespmem:v2+s2+$0x0], $0xffff;
	[tilespmem:v0+s15+$0x0 ss:$0x1] =	vst.idx.msk $0xffff, v4  }
0x3f: {  	s22 =	sand.u32 $0x7000, s11;
	s11 =	simm.s32 $0x6600;
	s18 =	sand.u32 $0x280, s18;
	v3 =	vadd.s32 $0x1B5C, v10;
	[tilespmem:v0+s8+$0x0 ss:$0x1] =	vst.idx.msk $0xffff, v6;
	v14 =	vld.idx.msk [tilespmem:v14+s2+$0x0], $0xffff  }
0x40: {  	s7 =	sadd.s32 s7, s24;
	s0 =	sand.u32 $0xF000, s19;
	s19 =	simm.s32 $0x2600;
	v6 =	vadd.s32 s4, v3;
	v15 =	vld.idx.msk [tilespmem:v15+s2+$0x0], $0xffff  }
0x41: {  	s0 =	sadd.s32 s0, s24;
	v17 =	vadd.s32 s5, v3;
	s16 =	sadd.s32 s18, s17;
	s18 =	simm.s32 $0x900;
	[tilespmem:v0+s9+$0x0 ss:$0x1] =	vst.idx.msk $0xffff, v11  }
0x42: {  	s17 =	simm.s32 $0x4400;
	s15 =	sand.u32 $0x300, s18;
	s8 =	sand.u32 $0x3000, s19;
	v4 =	vand.u32 $0xFFFF, v5;
	v13 =	vld.idx.msk [tilespmem:v13+s2+$0x0], $0xffff  }
0x43: {  	v18 =	vadd.s32 s3, v3;
	s9 =	sadd.s32 s21, s24;
	s18 =	simm.s32 $0x1180;
	s19 =	simm.s32 $0x1100;
	v11 =	vmul.u32 $0x11, v4;
	[tilespmem:v0+s28+$0x7E00 ss:$0x1] =	vst.idx.msk $0xffff, v16  }
0x44: {  	s21 =	simm.s32 $0x4600;
	s7 =	sadd.s32 s15, s7;
	s8 =	sadd.s32 s8, s24;
	v19 =	vld.idx.msk [tilespmem:v3+s2+$0x0], $0xffff;
	[tilespmem:v0+s16+$0x0 ss:$0x1] =	vst.idx.msk $0xffff, v14  }
0x45: {  	s9 =	sadd.s32 s10, s9;
	s15 =	sand.u32 $0x5000, s17;
	s17 =	sand.u32 $0x300, s19;
	v4 =	vadd.s32 $0x1B5C, v11;
	[tilespmem:v0+s7+$0x0 ss:$0x1] =	vst.idx.msk $0xffff, v15;
	v6 =	vld.idx.msk [tilespmem:v6+s2+$0x0], $0xffff  }
0x46: {  	s10 =	simm.s32 $0x1880;
	s8 =	sadd.s32 s14, s8;
	s15 =	sadd.s32 s15, s24;
	v14 =	vadd.s32 s4, v4;
	v15 =	vld.idx.msk [tilespmem:v17+s2+$0x0], $0xffff  }
0x47: {  	s19 =	simm.s32 $0x6400;
	s14 =	sand.u32 $0x280, s10;
	s15 =	sadd.s32 s17, s15;
	[tilespmem:v0+s8+$0x0 ss:$0x1] =	vst.idx.msk $0xffff, v13;
	v13 =	vadd.s32 s5, v4  }
0x48: {  	v5 =	vshrl.u32 v5, $0x10;
	s17 =	simm.s32 $0x2080;
	s7 =	sand.u32 $0x5000, s21;
	s16 =	sand.u32 $0x380, s18;
	v17 =	vld.idx.msk [tilespmem:v18+s2+$0x0], $0xffff  }
0x49: {  	v16 =	vmul.u32 $0x11, v5;
	s18 =	simm.s32 $0x3980;
	s21 =	simm.s32 $0x1980;
	s7 =	sadd.s32 s7, s24;
	v18 =	vadd.s32 s3, v4;
	[tilespmem:v0+s28+$0x9E00 ss:$0x1] =	vst.idx.msk $0xffff, v19  }
0x4a: {  	s31 =	sand.u32 $0x380, s18;
	s10 =	sand.u32 $0x380, s21;
	s18 =	sand.u32 $0x280, s17;
	v19 =	vld.idx.msk [tilespmem:v4+s2+$0x0], $0xffff;
	[tilespmem:v0+s9+$0x0 ss:$0x1] =	vst.idx.msk $0xffff, v6  }
0x4b: {  	v5 =	vadd.s32 $0x1B5C, v16;
	s21 =	simm.s32 $0x8400;
	s17 =	simm.s32 $0xC200;
	s8 =	sadd.s32 s22, s24;
	[tilespmem:v0+s15+$0x0 ss:$0x1] =	vst.idx.msk $0xffff, v15;
	v14 =	vld.idx.msk [tilespmem:v14+s2+$0x0], $0xffff  }
0x4c: {  	s7 =	sadd.s32 s16, s7;
	s8 =	sadd.s32 s14, s8;
	s14 =	sand.u32 $0x7000, s11;
	v15 =	vadd.s32 s4, v5;
	v13 =	vld.idx.msk [tilespmem:v13+s2+$0x0], $0xffff  }
0x4d: {  	s22 =	simm.s32 $0x1900;
	s11 =	simm.s32 $0x8200;
	s14 =	sadd.s32 s14, s24;
	[tilespmem:v0+s7+$0x0 ss:$0x1] =	vst.idx.msk $0xffff, v17;
	v17 =	vadd.s32 s5, v5  }
0x4e: {  	v20 =	vmul.u32 $0x11, v12;
	s9 =	sand.u32 $0x7000, s19;
	s15 =	sand.u32 $0x300, s22;
	s14 =	sadd.s32 s10, s14;
	v12 =	vld.idx.msk [tilespmem:v18+s2+$0x0], $0xffff  }
0x4f: {  	s19 =	simm.s32 $0x3900;
	s22 =	simm.s32 $0x2180;
	s9 =	sadd.s32 s9, s24;
	v18 =	vadd.s32 s3, v5;
	[tilespmem:v0+s28+$0xBE00 ss:$0x1] =	vst.idx.msk $0xffff, v19  }
0x50: {  	s10 =	simm.s32 $0x2100;
	s22 =	sand.u32 $0x380, s22;
	s9 =	sadd.s32 s15, s9;
	v19 =	vld.idx.msk [tilespmem:v5+s2+$0x0], $0xffff;
	[tilespmem:v0+s8+$0x0 ss:$0x1] =	vst.idx.msk $0xffff, v14  }
0x51: {  	v6 =	vadd.s32 $0x32EF, v20;
	s15 =	sadd.s32 s6, s24;
	s6 =	sand.u32 $0x300, s19;
	s7 =	sand.u32 $0x9000, s11;
	v14 =	vld.idx.msk [tilespmem:v15+s2+$0x0], $0xffff;
	[tilespmem:v0+s9+$0x0 ss:$0x1] =	vst.idx.msk $0xffff, v13  }
0x52: {  	s19 =	sand.u32 $0x300, s10;
	s11 =	simm.s32 $0x8600;
	s7 =	sadd.s32 s7, s24;
	v13 =	vadd.s32 s4, v6;
	v15 =	vld.idx.msk [tilespmem:v17+s2+$0x0], $0xffff  }
0x53: {  	s7 =	sadd.s32 s18, s7;
	s18 =	simm.s32 $0x3080;
	s8 =	simm.s32 $0xA200;
	[tilespmem:v0+s14+$0x0 ss:$0x1] =	vst.idx.msk $0xffff, v12;
	v12 =	vadd.s32 s5, v6  }
0x54: {  	s9 =	sand.u32 $0x9000, s21;
	s21 =	sand.u32 $0x9000, s11;
	s8 =	sand.u32 $0xB000, s8;
	v17 =	vld.idx.msk [tilespmem:v18+s2+$0x0], $0xffff  }
0x55: {  	v22 =	vmul.u32 $0x11, v7;
	s11 =	simm.s32 $0x2880;
	s9 =	sadd.s32 s9, s24;
	s10 =	sadd.s32 s21, s24;
	v18 =	vadd.s32 s3, v6;
	[tilespmem:v0+s28+$0xDE00 ss:$0x1] =	vst.idx.msk $0xffff, v19  }
0x56: {  	s16 =	sand.u32 $0x280, s11;
	s8 =	sadd.s32 s8, s24;
	s9 =	sadd.s32 s19, s9;
	v19 =	vld.idx.msk [tilespmem:v6+s2+$0x0], $0xffff;
	[tilespmem:v0+s7+$0x0 ss:$0x1] =	vst.idx.msk $0xffff, v14  }
0x57: {  	v7 =	vadd.s32 $0x381D, v22;
	s21 =	simm.s32 $0xA400;
	s11 =	simm.s32 $0x2900;
	s14 =	sadd.s32 s22, s10;
	v13 =	vld.idx.msk [tilespmem:v13+s2+$0x0], $0xffff;
	[tilespmem:v0+s9+$0x0 ss:$0x1] =	vst.idx.msk $0xffff, v15  }
0x58: {  	s19 =	simm.s32 $0xA600;
	s22 =	simm.s32 $0x2980;
	s10 =	sand.u32 $0xB000, s21;
	v14 =	vadd.s32 s4, v7;
	v15 =	vld.idx.msk [tilespmem:v12+s2+$0x0], $0xffff  }
0x59: {  	s7 =	sadd.s32 s16, s8;
	s8 =	sand.u32 $0xD000, s17;
	s16 =	sand.u32 $0x300, s11;
	v12 =	vadd.s32 $0x4, v1;
	[tilespmem:v0+s14+$0x0 ss:$0x1] =	vst.idx.msk $0xffff, v17;
	v17 =	vadd.s32 s5, v7  }
0x5a: {  	s17 =	simm.s32 $0x7;
	s11 =	simm.s32 $0x3180;
	v21 =	vadd.s32 s26, v12;
	s14 =	sadd.s32 s10, s24;
	v18 =	vld.idx.msk [tilespmem:v18+s2+$0x0], $0xffff  }
0x5b: {  	v23 =	vmul.u32 $0x11, v8;
	s9 =	sand.u32 $0xB000, s19;
	s21 =	sadd.s32 s16, s14;
	s14 =	simm.s32 $0x5;
	[tilespmem:v0+s28+$0xFE00 ss:$0x1] =	vst.idx.msk $0xffff, v19;
	v19 =	vadd.s32 s3, v7  }
0x5c: {  	s19 =	sand.u32 $0x380, s22;
	s22 =	sand.u32 $0x280, s18;
	s8 =	sadd.s32 s8, s24;
	v26 =	vadd.s32 s14, v1;
	v24 =	vld.idx.msk [tilespmem:v7+s2+$0x0], $0xffff;
	[tilespmem:v0+s7+$0x0 ss:$0x1] =	vst.idx.msk $0xffff, v13  }
0x5d: {  	v8 =	vadd.s32 $0x3883, v23;
	s18 =	sadd.s32 s6, s0;
	s9 =	sadd.s32 s9, s24;
	s16 =	simm.s32 $0x6;
	v27 =	vld.idx.msk [tilespmem:v14+s2+$0x0], $0xffff;
	[tilespmem:v0+s21+$0x0 ss:$0x1] =	vst.idx.msk $0xffff, v15  }
0x5e: {  	s6 =	simm.s32 $0x380;
	s0 =	simm.s32 $0x800;
	s19 =	sadd.s32 s19, s9;
	v29 =	vadd.s32 s16, v1;
	v30 =	vld.idx.msk [tilespmem:v17+s2+$0x0], $0xffff  }
0x5f: {  	v32 =	vadd.s32 s4, v8;
	s8 =	sadd.s32 s22, s8;
	s22 =	simm.s32 $0xC600;
	s10 =	simm.s32 $0xC400;
	v25 =	vld.idx.msk [tilespmem:v21+s2+$0x0], $0xffff;
	[tilespmem:v0+s19+$0x0 ss:$0x1] =	vst.idx.msk $0xffff, v18  }
0x60: {  	v31 =	vadd.s32 s5, v8;
	s5 =	sand.u32 $0x380, s11;
	s11 =	simm.s32 $0x3880;
	s7 =	simm.s32 $0xE200;
	v33 =	vld.idx.msk [tilespmem:v19+s2+$0x0], $0xffff  }
0x61: {  	v28 =	vadd.s32 s17, v1;
	v13 =	vadd.s32 $0x1B60, v11;
	s21 =	simm.s32 $0x3100;
	s7 =	sand.u32 $0xF000, s7;
	s19 =	sand.u32 $0xD000, s10;
	v26 =	vld.idx.msk [tilespmem:v26+s2+$0x0], $0xffff;
	[tilespmem:v0+s28+$0x11E00 ss:$0x1] =	vst.idx.msk $0xffff, v24  }
0x62: {  	v15 =	vadd.s32 $0x1B60, v9;
	v14 =	vadd.s32 $0x1B60, v10;
	v10 =	vadd.s32 $0x1B60, v16;
	s9 =	sand.u32 $0x300, s21;
	s4 =	sadd.s32 s19, s24;
	s19 =	sand.u32 $0xD000, s22;
	v21 =	vld.idx.msk [tilespmem:v8+s2+$0x0], $0xffff  }
0x63: {  	v17 =	vadd.s32 $0x32F3, v20;
	v18 =	vadd.s32 $0x3821, v22;
	v22 =	vadd.s32 s3, v8;
	s22 =	sand.u32 $0x1000, s0;
	s4 =	sadd.s32 s9, s4;
	s10 =	sadd.s32 s19, s24;
	[tilespmem:v0+s8+$0x0 ss:$0x1] =	vst.idx.msk $0xffff, v27;
	v27 =	vld.idx.msk [tilespmem:v29+s2+$0x0], $0xffff  }
0x64: {  	v16 =	vadd.s32 s26, v17;
	v19 =	vadd.s32 $0x3887, v23;
	v11 =	vadd.s32 s26, v18;
	s19 =	simm.s32 $0x400;
	s9 =	simm.s32 $0x280;
	s8 =	sadd.s32 s5, s10;
	[tilespmem:v0+s4+$0x0 ss:$0x1] =	vst.idx.msk $0xffff, v30;
	v20 =	vld.idx.msk [tilespmem:v32+s2+$0x0], $0xffff  }
0x65: {  	v9 =	vadd.s32 s26, v19;
	v29 =	vadd.s32 s14, v2;
	s5 =	sand.u32 $0x280, s11;
	v30 =	vadd.s32 s26, v15;
	s4 =	sadd.s32 s7, s24;
	s7 =	sor.u32 s29, s22;
	v23 =	vld.idx.msk [tilespmem:v31+s2+$0x0], $0xffff;
	[tilespmem:v0+s8+$0x0 ss:$0x1] =	vst.idx.msk $0xffff, v33  }
.LBB2_3:
0x66: {  	s8 =	sand.u32 $0x200, s19;
	s10 =	sadd.s32 $0x5E00, s7  }
0x67: {  	s6 =	sand.u32 $0x380, s6;
	v31 =	vadd.s32 s26, v14;
	v32 =	vadd.s32 s26, v13;
	v24 =	vadd.s32 s26, v10;
	s26 =	smov.u32 s30;
	s30 =	smov.u32 s20  }
0x68: {  	s3 =	smov.u32 s17;
	s9 =	sand.u32 $0x280, s9;
	s21 =	sand.u32 $0x300, s13  }
0x69: {  	s13 =	sadd.s32 $0x100, s19;
	p0 =	slt.u32 s20, $0xC;
	s17 =	sadd.s32 s1, s10;
	v28 =	vld.idx.msk [tilespmem:v28+s2+$0x0], $0xffff;
	[tilespmem:v0+s28+$0x13E00 ss:$0x1] =	vst.idx.msk $0xffff, v21  }
0x6a: {  	s4 =	sadd.s32 s5, s4;
	s28 =	sadd.s32 s21, s10;
	v21 =	vadd.s32 s16, v2;
	s6 =	sadd.s32 s6, s10;
	v22 =	vld.idx.msk [tilespmem:v22+s2+$0x0], $0xffff  }
0x6b: {  	s21 =	sadd.s32 $0x4, s20;
	s9 =	sadd.s32 s9, s10;
	s10 =	sadd.s32 $0xE400, s0;
	[tilespmem:v0+s17+$0x0 ss:$0x1] =	vst.idx.msk $0xffff, v25;
	v25 =	vadd.s32 s3, v2  }
0x6c: {  	s20 =	smov.u32 s0;
	s10 =	sand.u32 $0xF000, s10;
	s17 =	sadd.s32 $0xE600, s0;
	v30 =	vld.idx.msk [tilespmem:v30+s2+$0x0], $0xffff;
	[tilespmem:v0+s18+$0x0 ss:$0x1] =	vst.idx.msk $0xffff, v23  }
0x6d: {  	v23 =	vadd.s32 s14, v3;
	s18 =	sadd.s32 s10, s24;
	s17 =	sand.u32 $0xF000, s17;
	[tilespmem:v0+s9+$0x0 ss:$0x1] =	vst.idx.msk $0xffff, v26;
	s9 =	sadd.s32 $0x2200, s0  }
0x6e: {  	s10 =	sadd.s32 s31, s15;
	v26 =	vld.idx.msk [tilespmem:v29+s2+$0x0], $0xffff;
	s5 =	sand.u32 $0x3000, s9;
	s9 =	sadd.s32 $0x880, s25;
	[tilespmem:v0+s28+$0x0 ss:$0x1] =	vst.idx.msk $0xffff, v27  }
0x6f: {  	s15 =	sadd.s32 $0x4600, s0;
	s9 =	sand.u32 $0x280, s9;
	s5 =	sadd.s32 s5, s24;
	v21 =	vld.idx.msk [tilespmem:v21+s2+$0x0], $0xffff;
	[tilespmem:v0+s4+$0x0 ss:$0x1] =	vst.idx.msk $0xffff, v20  }
0x70: {  	s4 =	smov.u32 s16;
	s5 =	sadd.s32 s9, s5;
	s9 =	sadd.s32 $0x4200, s0;
	[tilespmem:v0+s6+$0x0 ss:$0x1] =	vst.idx.msk $0xffff, v28  }
0x71: {  	s28 =	sadd.s32 s1, s7;
	s1 =	sadd.s32 $0x2400, s0;
	v20 =	vadd.s32 s4, v3;
	s6 =	sadd.s32 $0x980, s25;
	v25 =	vld.idx.msk [tilespmem:v25+s2+$0x0], $0xffff;
	[tilespmem:v0+s10+$0x0 ss:$0x1] =	vst.idx.msk $0xffff, v22  }
0x72: {  	s7 =	sadd.s32 $0x900, s25;
	s1 =	sand.u32 $0x3000, s1;
	s10 =	sadd.s32 $0x2600, s0;
	v22 =	vadd.s32 s3, v3;
	[tilespmem:v0+s28+$0x7E00 ss:$0x1] =	vst.idx.msk $0xffff, v30  }
0x73: {  	s7 =	sand.u32 $0x300, s7;
	s1 =	sadd.s32 s1, s24;
	s10 =	sand.u32 $0x3000, s10;
	v27 =	vld.idx.msk [tilespmem:v31+s2+$0x0], $0xffff  }
0x74: {  	s1 =	sadd.s32 s7, s1;
	[tilespmem:v0+s5+$0x0 ss:$0x1] =	vst.idx.msk $0xffff, v26;
	v26 =	vadd.s32 s14, v4;
	s5 =	sand.u32 $0x380, s6;
	s6 =	sadd.s32 s10, s24  }
0x75: {  	s7 =	sand.u32 $0x5000, s9;
	s9 =	sadd.s32 $0x1080, s25;
	v23 =	vld.idx.msk [tilespmem:v23+s2+$0x0], $0xffff;
	[tilespmem:v0+s1+$0x0 ss:$0x1] =	vst.idx.msk $0xffff, v21;
	s5 =	sadd.s32 s5, s6  }
0x76: {  	s7 =	sadd.s32 s7, s24;
	s6 =	sand.u32 $0x280, s9;
	s1 =	smov.u32 s8;
	v20 =	vld.idx.msk [tilespmem:v20+s2+$0x0], $0xffff  }
0x77: {  	s8 =	sadd.s32 $0x4400, s0;
	s6 =	sadd.s32 s6, s7;
	[tilespmem:v0+s5+$0x0 ss:$0x1] =	vst.idx.msk $0xffff, v25;
	s5 =	smov.u32 s25  }
0x78: {  	v21 =	vadd.s32 s4, v4;
	s7 =	sadd.s32 $0x6200, s0;
	s8 =	sand.u32 $0x5000, s8;
	v22 =	vld.idx.msk [tilespmem:v22+s2+$0x0], $0xffff;
	s9 =	sadd.s32 $0x1180, s5  }
0x79: {  	s15 =	sand.u32 $0x5000, s15;
	v25 =	vadd.s32 s3, v4;
	s8 =	sadd.s32 s8, s24;
	s10 =	sadd.s32 $0x1100, s5;
	[tilespmem:v0+s28+$0x9E00 ss:$0x1] =	vst.idx.msk $0xffff, v27  }
0x7a: {  	s7 =	sand.u32 $0x7000, s7;
	s25 =	smov.u32 s19;
	s10 =	sand.u32 $0x300, s10;
	v27 =	vld.idx.msk [tilespmem:v32+s2+$0x0], $0xffff  }
0x7b: {  	[tilespmem:v0+s6+$0x0 ss:$0x1] =	vst.idx.msk $0xffff, v23;
	v23 =	vadd.s32 s14, v5;
	s6 =	sadd.s32 s10, s8;
	s8 =	sand.u32 $0x380, s9;
	s9 =	sadd.s32 s15, s24  }
0x7c: {  	s7 =	sadd.s32 s7, s24;
	s10 =	sadd.s32 $0x1880, s5;
	v26 =	vld.idx.msk [tilespmem:v26+s2+$0x0], $0xffff;
	[tilespmem:v0+s6+$0x0 ss:$0x1] =	vst.idx.msk $0xffff, v20;
	s6 =	sadd.s32 s8, s9  }
0x7d: {  	s16 =	sadd.s32 $0x2100, s5;
	s11 =	sadd.s32 $0x2900, s5;
	s8 =	sand.u32 $0x280, s10;
	v20 =	vld.idx.msk [tilespmem:v21+s2+$0x0], $0xffff  }
0x7e: {  	s7 =	sadd.s32 s8, s7;
	s8 =	sadd.s32 $0x3980, s5;
	[tilespmem:v0+s6+$0x0 ss:$0x1] =	vst.idx.msk $0xffff, v22;
	s6 =	sadd.s32 $0x6600, s0  }
0x7f: {  	s9 =	sadd.s32 $0x6400, s0;
	s10 =	sadd.s32 $0x1980, s5;
	v21 =	vadd.s32 s4, v5;
	s31 =	sand.u32 $0x380, s8;
	v22 =	vld.idx.msk [tilespmem:v25+s2+$0x0], $0xffff  }
0x80: {  	s10 =	sand.u32 $0x380, s10;
	s8 =	sand.u32 $0x7000, s9;
	s9 =	sadd.s32 $0x1900, s5;
	v25 =	vadd.s32 s3, v5;
	[tilespmem:v0+s28+$0xBE00 ss:$0x1] =	vst.idx.msk $0xffff, v27  }
0x81: {  	s9 =	sand.u32 $0x300, s9;
	s8 =	sadd.s32 s8, s24;
	s6 =	sand.u32 $0x7000, s6;
	v24 =	vld.idx.msk [tilespmem:v24+s2+$0x0], $0xffff  }
0x82: {  	s8 =	sadd.s32 s9, s8;
	s6 =	sadd.s32 s6, s24;
	[tilespmem:v0+s7+$0x0 ss:$0x1] =	vst.idx.msk $0xffff, v26;
	s7 =	sadd.s32 $0x8200, s0;
	v26 =	vadd.s32 s14, v6  }
0x83: {  	s9 =	sadd.s32 $0x2080, s5;
	s6 =	sadd.s32 s10, s6;
	v23 =	vld.idx.msk [tilespmem:v23+s2+$0x0], $0xffff;
	s7 =	sand.u32 $0x9000, s7;
	[tilespmem:v0+s8+$0x0 ss:$0x1] =	vst.idx.msk $0xffff, v20  }
0x84: {  	s15 =	sadd.s32 s17, s24;
	s8 =	sand.u32 $0x280, s9;
	s7 =	sadd.s32 s7, s24;
	v20 =	vld.idx.msk [tilespmem:v21+s2+$0x0], $0xffff  }
0x85: {  	s9 =	sadd.s32 $0x3900, s5;
	s7 =	sadd.s32 s8, s7;
	s8 =	sadd.s32 $0xA200, s0;
	[tilespmem:v0+s6+$0x0 ss:$0x1] =	vst.idx.msk $0xffff, v22  }
0x86: {  	s10 =	sadd.s32 $0x8400, s0;
	v21 =	vadd.s32 s4, v6;
	s6 =	sand.u32 $0x300, s9;
	s9 =	sadd.s32 $0x2180, s5;
	v22 =	vld.idx.msk [tilespmem:v25+s2+$0x0], $0xffff  }
0x87: {  	s16 =	sand.u32 $0x300, s16;
	s17 =	sadd.s32 $0x8600, s0;
	s10 =	sand.u32 $0x9000, s10;
	[tilespmem:v0+s28+$0xDE00 ss:$0x1] =	vst.idx.msk $0xffff, v24;
	v24 =	vadd.s32 s3, v6  }
0x88: {  	s11 =	sand.u32 $0x300, s11;
	s17 =	sand.u32 $0x9000, s17;
	s10 =	sadd.s32 s10, s24;
	v16 =	vld.idx.msk [tilespmem:v16+s2+$0x0], $0xffff  }
0x89: {  	s9 =	sand.u32 $0x380, s9;
	[tilespmem:v0+s7+$0x0 ss:$0x1] =	vst.idx.msk $0xffff, v23;
	v23 =	vadd.s32 s14, v7;
	s7 =	sadd.s32 s16, s10;
	s10 =	sadd.s32 s17, s24  }
0x8a: {  	s8 =	sand.u32 $0xB000, s8;
	s16 =	sadd.s32 $0x2880, s5;
	v25 =	vld.idx.msk [tilespmem:v26+s2+$0x0], $0xffff;
	[tilespmem:v0+s7+$0x0 ss:$0x1] =	vst.idx.msk $0xffff, v20;
	s7 =	sadd.s32 s9, s10  }
0x8b: {  	s8 =	sadd.s32 s8, s24;
	s9 =	sand.u32 $0x280, s16;
	s10 =	sadd.s32 $0x3080, s5;
	v20 =	vld.idx.msk [tilespmem:v21+s2+$0x0], $0xffff  }
0x8c: {  	s8 =	sadd.s32 s9, s8;
	s9 =	sadd.s32 $0xC200, s0;
	[tilespmem:v0+s7+$0x0 ss:$0x1] =	vst.idx.msk $0xffff, v22;
	s7 =	sadd.s32 $0xA600, s0  }
0x8d: {  	s17 =	sadd.s32 $0x2980, s5;
	s16 =	sadd.s32 $0xA400, s0;
	v21 =	vadd.s32 s4, v7;
	v22 =	vld.idx.msk [tilespmem:v24+s2+$0x0], $0xffff;
	s7 =	sand.u32 $0xB000, s7  }
0x8e: {  	s18 =	sadd.s32 s6, s18;
	s16 =	sand.u32 $0xB000, s16;
	s9 =	sand.u32 $0xD000, s9;
	v24 =	vadd.s32 s26, v12;
	[tilespmem:v0+s28+$0xFE00 ss:$0x1] =	vst.idx.msk $0xffff, v16;
	v16 =	vadd.s32 s3, v7  }
0x8f: {  	s6 =	sadd.s32 $0x180, s19;
	s22 =	sand.u32 $0x380, s17;
	s16 =	sadd.s32 s16, s24;
	v11 =	vld.idx.msk [tilespmem:v11+s2+$0x0], $0xffff  }
0x90: {  	v31 =	vadd.s32 s14, v8;
	s17 =	sadd.s32 $0x3, s30;
	s7 =	sadd.s32 s7, s24;
	[tilespmem:v0+s8+$0x0 ss:$0x1] =	vst.idx.msk $0xffff, v25;
	s8 =	sadd.s32 s11, s16  }
0x91: {  	s14 =	sadd.s32 $0x1, s30;
	s7 =	sadd.s32 s22, s7;
	s16 =	sadd.s32 $0x2, s30;
	v23 =	vld.idx.msk [tilespmem:v23+s2+$0x0], $0xffff;
	[tilespmem:v0+s8+$0x0 ss:$0x1] =	vst.idx.msk $0xffff, v20  }
0x92: {  	s19 =	sadd.s32 $0x200, s19;
	v28 =	vadd.s32 s17, v1;
	s9 =	sadd.s32 s9, s24;
	v20 =	vadd.s32 s14, v1;
	v27 =	vadd.s32 s16, v1;
	s8 =	sand.u32 $0x280, s10;
	v29 =	vld.idx.msk [tilespmem:v21+s2+$0x0], $0xffff  }
0x93: {  	s0 =	sadd.s32 $0x800, s0;
	s11 =	sadd.s32 $0xC600, s20;
	s8 =	sadd.s32 s8, s9;
	v25 =	vld.idx.msk [tilespmem:v24+s2+$0x0], $0xffff;
	[tilespmem:v0+s7+$0x0 ss:$0x1] =	vst.idx.msk $0xffff, v22  }
0x94: {  	s9 =	sadd.s32 $0xC400, s20;
	s7 =	sadd.s32 $0xE200, s20;
	v24 =	vadd.s32 s4, v8;
	s4 =	sadd.s32 $0x3180, s5;
	v32 =	vld.idx.msk [tilespmem:v16+s2+$0x0], $0xffff  }
0x95: {  	s10 =	sadd.s32 $0x3100, s5;
	s11 =	sand.u32 $0xD000, s11;
	s9 =	sand.u32 $0xD000, s9;
	[tilespmem:v0+s28+$0x11E00 ss:$0x1] =	vst.idx.msk $0xffff, v11  }
.Ltmp0:
0x96: {  	s10 =	sand.u32 $0x300, s10;
	s9 =	sadd.s32 s9, s24;
	v21 =	vld.idx.msk [tilespmem:v9+s2+$0x0], $0xffff;
	(pc) =	sbr.rel @p0 .LBB2_3-.Ltmp0, $4  }
0x97: {  	s4 =	sand.u32 $0x380, s4;
	v26 =	vld.idx.msk [tilespmem:v20+s2+$0x0], $0xffff;
	[tilespmem:v0+s8+$0x0 ss:$0x1] =	vst.idx.msk $0xffff, v23;
	s8 =	sadd.s32 s10, s9;
	s9 =	sadd.s32 s11, s24  }
0x98: {  	s5 =	sadd.s32 $0x3880, s5;
	v22 =	vadd.s32 s3, v8;
	s7 =	sand.u32 $0xF000, s7;
	v27 =	vld.idx.msk [tilespmem:v27+s2+$0x0], $0xffff;
	[tilespmem:v0+s8+$0x0 ss:$0x1] =	vst.idx.msk $0xffff, v29;
	s8 =	sadd.s32 s4, s9  }
0x99: {  	v30 =	vadd.s32 s26, v15;
	s3 =	sand.u32 $0x1000, s0;
	s20 =	smov.u32 s21;
	v29 =	vadd.s32 s14, v2;
	s4 =	sadd.s32 s7, s24;
	v23 =	vld.idx.msk [tilespmem:v24+s2+$0x0], $0xffff  }
0x9a: {  	v16 =	vadd.s32 s26, v17;
	s5 =	sand.u32 $0x280, s5;
	v11 =	vadd.s32 s26, v18;
	v9 =	vadd.s32 s26, v19;
	s7 =	sor.u32 s29, s3;
	s9 =	sadd.s32 $0x80, s25;
	v20 =	vld.idx.msk [tilespmem:v31+s2+$0x0], $0xffff;
	[tilespmem:v0+s8+$0x0 ss:$0x1] =	vst.idx.msk $0xffff, v32  }
0x9b: {  	_ =	sdelay $0x2  }
0x9c: {  	s3 =	sadd.s32 $0x5E00, s7  }
0x9d: {  	v1 =	vadd.s32 s16, v2;
	s6 =	sand.u32 $0x380, s6;
	v12 =	vld.idx.msk [tilespmem:v28+s2+$0x0], $0xffff;
	s9 =	sand.u32 $0x280, s9;
	s10 =	sand.u32 $0x300, s13  }
0x9e: {  	v40 =	vadd.s32 s17, v2;
	s20 =	sadd.s32 $0x2200, s0;
	s22 =	sadd.s32 $0x880, s25;
	[tilespmem:v0+s28+$0x13E00 ss:$0x1] =	vst.idx.msk $0xffff, v21;
	s8 =	sadd.s32 s1, s3  }
0x9f: {  	s19 =	sadd.s32 s10, s3;
	s6 =	sadd.s32 s6, s3;
	s3 =	sadd.s32 s9, s3;
	[tilespmem:v0+s8+$0x0 ss:$0x1] =	vst.idx.msk $0xffff, v25  }
0xa0: {  	s29 =	sadd.s32 $0xE400, s0;
	s30 =	sadd.s32 $0x2400, s0;
	s11 =	sadd.s32 $0x980, s25;
	[tilespmem:v0+s3+$0x0 ss:$0x1] =	vst.idx.msk $0xffff, v26;
	v15 =	vld.idx.msk [tilespmem:v30+s2+$0x0], $0xffff  }
0xa1: {  	v14 =	vadd.s32 s26, v14;
	s13 =	sadd.s32 $0x4200, s0;
	s4 =	sadd.s32 s5, s4;
	s28 =	sadd.s32 $0x3880, s25;
	[tilespmem:v0+s19+$0x0 ss:$0x1] =	vst.idx.msk $0xffff, v27;
	v17 =	vld.idx.msk [tilespmem:v29+s2+$0x0], $0xffff  }
0xa2: {  	v18 =	vadd.s32 s14, v3;
	s21 =	sand.u32 $0x3000, s20;
	s1 =	sadd.s32 s1, s7;
	s10 =	sadd.s32 $0x2600, s0;
	v1 =	vld.idx.msk [tilespmem:v1+s2+$0x0], $0xffff;
	[tilespmem:v0+s6+$0x0 ss:$0x1] =	vst.idx.msk $0xffff, v12  }
0xa3: {  	v41 =	vadd.s32 s16, v3;
	s20 =	sadd.s32 $0x4400, s0;
	s8 =	sand.u32 $0x280, s22;
	s9 =	sadd.s32 s21, s24;
	v2 =	vld.idx.msk [tilespmem:v40+s2+$0x0], $0xffff  }
0xa4: {  	v42 =	vadd.s32 s17, v3;
	s8 =	sadd.s32 s8, s9;
	s9 =	sadd.s32 $0x900, s25;
	s6 =	sand.u32 $0x3000, s30  }
0xa5: {  	s7 =	sand.u32 $0x300, s9;
	s9 =	sand.u32 $0x3000, s10;
	s6 =	sadd.s32 s6, s24;
	[tilespmem:v0+s1+$0x7E00 ss:$0x1] =	vst.idx.msk $0xffff, v15  }
0xa6: {  	s9 =	sadd.s32 s9, s24;
	s6 =	sadd.s32 s7, s6;
	s7 =	sand.u32 $0x380, s11;
	[tilespmem:v0+s8+$0x0 ss:$0x1] =	vst.idx.msk $0xffff, v17;
	v43 =	vld.idx.msk [tilespmem:v14+s2+$0x0], $0xffff  }
0xa7: {  	v13 =	vadd.s32 s26, v13;
	s3 =	sand.u32 $0xF000, s29;
	s19 =	sadd.s32 $0x1080, s25;
	s7 =	sadd.s32 s7, s9;
	v44 =	vld.idx.msk [tilespmem:v18+s2+$0x0], $0xffff;
	[tilespmem:v0+s6+$0x0 ss:$0x1] =	vst.idx.msk $0xffff, v1  }
0xa8: {  	v46 =	vadd.s32 s14, v4;
	s21 =	sadd.s32 $0x1100, s25;
	s22 =	sadd.s32 $0x4600, s0;
	s29 =	sadd.s32 $0x1180, s25;
	v12 =	vld.idx.msk [tilespmem:v41+s2+$0x0], $0xffff;
	[tilespmem:v0+s7+$0x0 ss:$0x1] =	vst.idx.msk $0xffff, v2  }
0xa9: {  	v45 =	vadd.s32 s16, v4;
	s30 =	sadd.s32 $0x6200, s0;
	s8 =	sand.u32 $0x280, s19;
	s6 =	sand.u32 $0x5000, s13;
	v3 =	vld.idx.msk [tilespmem:v42+s2+$0x0], $0xffff  }
0xaa: {  	v47 =	vadd.s32 s17, v4;
	s9 =	sand.u32 $0x5000, s22;
	s6 =	sadd.s32 s6, s24;
	s7 =	sand.u32 $0x5000, s20  }
0xab: {  	s6 =	sadd.s32 s8, s6;
	s8 =	sand.u32 $0x300, s21;
	s7 =	sadd.s32 s7, s24;
	[tilespmem:v0+s1+$0x9E00 ss:$0x1] =	vst.idx.msk $0xffff, v43  }
0xac: {  	s9 =	sadd.s32 s9, s24;
	s7 =	sadd.s32 s8, s7;
	s8 =	sand.u32 $0x380, s29;
	[tilespmem:v0+s6+$0x0 ss:$0x1] =	vst.idx.msk $0xffff, v44;
	v1 =	vld.idx.msk [tilespmem:v13+s2+$0x0], $0xffff  }
0xad: {  	v10 =	vadd.s32 s26, v10;
	s10 =	sand.u32 $0x7000, s30;
	s22 =	sadd.s32 $0x1980, s25;
	s8 =	sadd.s32 s8, s9;
	v48 =	vld.idx.msk [tilespmem:v46+s2+$0x0], $0xffff;
	[tilespmem:v0+s7+$0x0 ss:$0x1] =	vst.idx.msk $0xffff, v12  }
0xae: {  	v50 =	vadd.s32 s14, v5;
	s11 =	sadd.s32 $0x1880, s25;
	s26 =	sand.u32 $0x380, s22;
	s13 =	sadd.s32 $0x6400, s0;
	v2 =	vld.idx.msk [tilespmem:v45+s2+$0x0], $0xffff;
	[tilespmem:v0+s8+$0x0 ss:$0x1] =	vst.idx.msk $0xffff, v3  }
0xaf: {  	v49 =	vadd.s32 s16, v5;
	s19 =	sand.u32 $0x7000, s13;
	s20 =	sadd.s32 $0x1900, s25;
	s21 =	sadd.s32 $0x6600, s0;
	v4 =	vld.idx.msk [tilespmem:v47+s2+$0x0], $0xffff  }
0xb0: {  	v51 =	vadd.s32 s17, v5;
	s6 =	sadd.s32 s10, s24;
	s9 =	sand.u32 $0x7000, s21;
	s7 =	sand.u32 $0x280, s11  }
0xb1: {  	s6 =	sadd.s32 s7, s6;
	s8 =	sand.u32 $0x300, s20;
	s7 =	sadd.s32 s19, s24;
	[tilespmem:v0+s1+$0xBE00 ss:$0x1] =	vst.idx.msk $0xffff, v1  }
0xb2: {  	s29 =	sadd.s32 $0x8200, s0;
	s9 =	sadd.s32 s9, s24;
	s7 =	sadd.s32 s8, s7;
	[tilespmem:v0+s6+$0x0 ss:$0x1] =	vst.idx.msk $0xffff, v48;
	v1 =	vld.idx.msk [tilespmem:v10+s2+$0x0], $0xffff  }
0xb3: {  	s23 =	sadd.s32 $0x1, s23;
	s30 =	sand.u32 $0x9000, s29;
	s8 =	sadd.s32 s26, s9;
	v52 =	vld.idx.msk [tilespmem:v50+s2+$0x0], $0xffff;
	[tilespmem:v0+s7+$0x0 ss:$0x1] =	vst.idx.msk $0xffff, v2  }
0xb4: {  	v54 =	vadd.s32 s14, v6;
	s10 =	sadd.s32 $0x2080, s25;
	s21 =	sadd.s32 $0x2180, s25;
	s11 =	sadd.s32 $0x8400, s0;
	v2 =	vld.idx.msk [tilespmem:v49+s2+$0x0], $0xffff;
	[tilespmem:v0+s8+$0x0 ss:$0x1] =	vst.idx.msk $0xffff, v4  }
0xb5: {  	v53 =	vadd.s32 s16, v6;
	s13 =	sand.u32 $0x9000, s11;
	s19 =	sadd.s32 $0x2100, s25;
	s20 =	sadd.s32 $0x8600, s0;
	v5 =	vld.idx.msk [tilespmem:v51+s2+$0x0], $0xffff  }
0xb6: {  	v55 =	vadd.s32 s17, v6;
	s9 =	sand.u32 $0x9000, s20;
	s6 =	sadd.s32 s30, s24;
	s7 =	sand.u32 $0x280, s10  }
0xb7: {  	s6 =	sadd.s32 s7, s6;
	s8 =	sand.u32 $0x300, s19;
	s7 =	sadd.s32 s13, s24;
	[tilespmem:v0+s1+$0xDE00 ss:$0x1] =	vst.idx.msk $0xffff, v1  }
0xb8: {  	s9 =	sadd.s32 s9, s24;
	s10 =	sand.u32 $0x380, s21;
	s7 =	sadd.s32 s8, s7;
	[tilespmem:v0+s6+$0x0 ss:$0x1] =	vst.idx.msk $0xffff, v52;
	v1 =	vld.idx.msk [tilespmem:v16+s2+$0x0], $0xffff  }
0xb9: {  	s22 =	sadd.s32 $0xA200, s0;
	s29 =	sadd.s32 $0x2880, s25;
	s30 =	sadd.s32 s10, s9;
	v3 =	vld.idx.msk [tilespmem:v54+s2+$0x0], $0xffff;
	[tilespmem:v0+s7+$0x0 ss:$0x1] =	vst.idx.msk $0xffff, v2  }
0xba: {  	v57 =	vadd.s32 s14, v7;
	s11 =	sadd.s32 $0x2900, s25;
	s26 =	sand.u32 $0xB000, s22;
	s9 =	sadd.s32 $0xA400, s0;
	v2 =	vld.idx.msk [tilespmem:v53+s2+$0x0], $0xffff;
	[tilespmem:v0+s30+$0x0 ss:$0x1] =	vst.idx.msk $0xffff, v5  }
0xbb: {  	v56 =	vadd.s32 s16, v7;
	s13 =	sadd.s32 $0xA600, s0;
	s19 =	sadd.s32 $0x2980, s25;
	s10 =	sand.u32 $0xB000, s9;
	v6 =	vld.idx.msk [tilespmem:v55+s2+$0x0], $0xffff  }
0xbc: {  	v58 =	vadd.s32 s17, v7;
	s8 =	sand.u32 $0x300, s11;
	s6 =	sadd.s32 s26, s24;
	s7 =	sand.u32 $0x280, s29  }
0xbd: {  	s9 =	sand.u32 $0xB000, s13;
	s6 =	sadd.s32 s7, s6;
	s7 =	sadd.s32 s10, s24;
	[tilespmem:v0+s1+$0xFE00 ss:$0x1] =	vst.idx.msk $0xffff, v1  }
0xbe: {  	s9 =	sadd.s32 s9, s24;
	s10 =	sand.u32 $0x380, s19;
	s7 =	sadd.s32 s8, s7;
	[tilespmem:v0+s6+$0x0 ss:$0x1] =	vst.idx.msk $0xffff, v3;
	v1 =	vld.idx.msk [tilespmem:v11+s2+$0x0], $0xffff  }
0xbf: {  	s22 =	sadd.s32 $0xC200, s0;
	s11 =	sadd.s32 $0xC600, s0;
	s9 =	sadd.s32 s10, s9;
	v3 =	vld.idx.msk [tilespmem:v57+s2+$0x0], $0xffff;
	[tilespmem:v0+s7+$0x0 ss:$0x1] =	vst.idx.msk $0xffff, v2  }
0xc0: {  	v60 =	vadd.s32 s14, v8;
	s21 =	sadd.s32 $0x3080, s25;
	s11 =	sand.u32 $0xD000, s11;
	s26 =	sadd.s32 $0xC400, s0;
	v2 =	vld.idx.msk [tilespmem:v56+s2+$0x0], $0xffff;
	[tilespmem:v0+s9+$0x0 ss:$0x1] =	vst.idx.msk $0xffff, v6  }
0xc1: {  	v59 =	vadd.s32 s16, v8;
	s29 =	sadd.s32 $0x3100, s25;
	s30 =	sadd.s32 $0x3180, s25;
	s6 =	sand.u32 $0xD000, s22;
	v6 =	vld.idx.msk [tilespmem:v58+s2+$0x0], $0xffff  }
0xc2: {  	v61 =	vadd.s32 s17, v8;
	[tilespmem:v0+s18+$0x0 ss:$0x1] =	vst.idx.msk $0xffff, v23;
	s6 =	sadd.s32 s6, s24;
	s7 =	sand.u32 $0x280, s21;
	s9 =	sand.u32 $0xD000, s26  }
0xc3: {  	v62 =	vld.idx.msk [tilespmem:v22+s2+$0x0], $0xffff;
	s10 =	sand.u32 $0x300, s29;
	s6 =	sadd.s32 s7, s6;
	s9 =	sadd.s32 s9, s24;
	[tilespmem:v0+s1+$0x11E00 ss:$0x1] =	vst.idx.msk $0xffff, v1  }
0xc4: {  	s16 =	sadd.s32 s11, s24;
	s14 =	sand.u32 $0x380, s30;
	s9 =	sadd.s32 s10, s9;
	[tilespmem:v0+s6+$0x0 ss:$0x1] =	vst.idx.msk $0xffff, v3;
	v1 =	vld.idx.msk [tilespmem:v9+s2+$0x0], $0xffff  }
0xc5: {  	p0 =	sne.s32 s23, $0x20;
	s20 =	sadd.s32 $0xE600, s0;
	s17 =	sadd.s32 s14, s16;
	v3 =	vld.idx.msk [tilespmem:v60+s2+$0x0], $0xffff;
	[tilespmem:v0+s9+$0x0 ss:$0x1] =	vst.idx.msk $0xffff, v2  }
0xc6: {  	s3 =	sadd.s32 s3, s24;
	s18 =	sand.u32 $0xF000, s20;
	s26 =	sadd.s32 $0xE200, s0;
	v2 =	vld.idx.msk [tilespmem:v59+s2+$0x0], $0xffff;
	[tilespmem:v0+s17+$0x0 ss:$0x1] =	vst.idx.msk $0xffff, v6  }
0xc7: {  	[tilespmem:v0+s4+$0x0 ss:$0x1] =	vst.idx.msk $0xffff, v20;
	s19 =	sadd.s32 s31, s15;
	s29 =	sand.u32 $0x280, s28;
	s0 =	sand.u32 $0xF000, s26;
	v63 =	vld.idx.msk [tilespmem:v61+s2+$0x0], $0xffff  }
.Ltmp1:
0xc8: {  	[tilespmem:v0+s19+$0x0 ss:$0x1] =	vst.idx.msk $0xffff, v62;
	s22 =	sadd.s32 $0x3900, s25;
	s0 =	sadd.s32 s0, s24;
	(pc) =	sbr.rel @p0 .LBB2_2-.Ltmp1, $4  }
0xc9: {  	s20 =	sadd.s32 $0x3980, s25;
	s5 =	sand.u32 $0x300, s22;
	s0 =	sadd.s32 s29, s0;
	[tilespmem:v0+s1+$0x13E00 ss:$0x1] =	vst.idx.msk $0xffff, v1  }
0xca: {  	s30 =	sadd.s32 s18, s24;
	s21 =	sand.u32 $0x380, s20;
	s3 =	sadd.s32 s5, s3;
	[tilespmem:v0+s0+$0x0 ss:$0x1] =	vst.idx.msk $0xffff, v3  }
0xcb: {  	s31 =	sadd.s32 s21, s30;
	[tilespmem:v0+s3+$0x0 ss:$0x1] =	vst.idx.msk $0xffff, v2  }
0xcc: {  	[tilespmem:v0+s31+$0x0 ss:$0x1] =	vst.idx.msk $0xffff, v63  }
0xcd: {  	s0 =	rddreg [dreg:$0xa]  }
0xce: {  	s1 =	simm.s32 $0x1000;
	s3 =	simm.s32 $0x20000;
	s4 =	simm.s32 $0x5E00  }
0xcf: {  	[hbm4b:s0+s1] =	stream.strided.scatter [tilespmem:s4], [sflag:$0x1], $0x10000, s3, s1, $0x38;
	[tilespmem:$0x15E00] =	vst v63  }
0xd0: {  	_ =	swait.ge [sflag:s12], $0x10000  }
0xd1: {  	s30 =	rddreg [dreg:$0xc]  }
0xd2: {  	s31 =	rddreg [dreg:$0xb];
	s1 =	sadd.s32 $0x1, s30  }
0xd3: {  	p0 =	sne.s32 s1, s31  }
.Ltmp2:
0xd4: {  	_ = 	snop;
	(pc) =	sbr.rel @p0 .LBB2_1-.Ltmp2, $3  }
0xd5: {  	_ =	sdelay $0x1  }
0xd6: {  	[sflag:s12] =	ssyncset.done $0x0  }
0xd7: {  	[sflag:s12] =	ssyncadd.s32 $0xFFFF0000  }
0xd8: {  	_ =	sfence.sel $0x180000  }
0xd9: {  	[bflag:$0x0] =	sbarrier.arrive $0xFFFF  }
0xda: {  	_ =	strace $0x90000047  }
0xdb: {  	s0 =	stileid.u32;
	[bflag:$0x2] =	sbarrier.arrive $0xFFFF  }
0xdc: {  	p0 =	sne.s32 s0, $0x0;
	s0 =	rddreg [dreg:$0x2]  }
0xdd: {  	s0 =	sadd.s32 @!p0 $0x100000, s0  }
0xde: {  	[sflag:s0] =	ssyncadd.tile.s32 @!p0 $0x1;
	_ =	shalt  }
.Lfunc_end2:
_tile_overlayer_lowered:
.L_overlay_start_2:
0xdf: {  	(tag) =	ssettag $0x2  }
0xe0: {  	s0 =	rddreg [dreg:$0x0];
	s2 =	stileid.u32  }
0xe1: {  	s1 =	rddreg [dreg:$0x1];
	p0 =	sne.s32 s2, $0x0  }
0xe2: {  	s3 =	rddreg [dreg:$0x2];
	[bflag:$0x3] =	sbarrier.arrive $0xFFFF;
	s2 =	simm.s32 @!p0 $0x1C01  }
0xe3: {  	[timem:s3], [sflag:s2] =	dma.local @!p0 [hbm:s0], s1  }
0xe4: {  	s0 =	simm.s32 @!p0 $0x1  }
0xe5: {  	_ =	swait.ge @!p0 [sflag:s0], s1  }
0xe6: {  	s1 =	ssub.s32 @!p0 $0x0, s1;
	[sflag:s0] =	ssyncset.done @!p0 $0x0  }
0xe7: {  	[sflag:s0] =	ssyncadd.s32 @!p0 s1  }
0xe8: {  	[bflag:$0x3] =	sbarrier.arrive $0xFFFF  }
0xe9: {  	_ =	shalt  }

</sc_bundles>
